<compile_context>
chip_gen: v7x
topology: tpu7x:2x2x1
jax: 0.10.2.dev20260603
libtpu: 0.0.44.dev20260713+nightly
codegen_flags: <defaults>
</compile_context>

<pallas_src>
import functools

import jax
import jax.numpy as jnp
from jax import lax
from jax.experimental import pallas as pl
from jax.experimental.pallas import tpu as pltpu
from jax.experimental.pallas import tpu_sc as plsc

_DEPTH = 32
_SPAN = 1024
_LANES = 16


def _gather_body(tablet_hbm, x_hbm, out_hbm, idx_v, tablet_v, vals_v,
                 sem_in, *, spans_per_b):
    wid = lax.axis_index("s") * 2 + lax.axis_index("c")
    b = wid // spans_per_b
    t0 = (wid % spans_per_b) * _SPAN

    c_table = pltpu.async_copy(tablet_hbm, tablet_v, sem_in)
    c_idx = pltpu.async_copy(x_hbm.at[b, pl.ds(t0, _SPAN)], idx_v, sem_in)
    c_table.wait()
    c_idx.wait()

    row_ids = [jnp.full((_LANES,), d, jnp.int32) for d in range(_DEPTH)]

    @plsc.parallel_loop(0, _SPAN, step=_LANES, unroll=2)
    def group(i0):
        idx16 = idx_v[pl.ds(i0, _LANES)]
        for d in range(_DEPTH):
            vals_v[d, pl.ds(i0, _LANES)] = plsc.load_gather(
                tablet_v, [row_ids[d], idx16])

    pltpu.sync_copy(vals_v, out_hbm.at[b, :, pl.ds(t0, _SPAN)])


@jax.jit
def kernel(x, byte2dsn):
    b, t = x.shape
    spans_per_b = t // _SPAN
    x = x.astype(jnp.int32)
    tablet = jnp.transpose(byte2dsn)

    mesh = plsc.VectorSubcoreMesh(core_axis_name="c", subcore_axis_name="s")
    gather = pl.kernel(
        functools.partial(_gather_body, spans_per_b=spans_per_b),
        mesh=mesh,
        out_type=jax.ShapeDtypeStruct((b, _DEPTH, t), jnp.float32),
        scratch_types=[
            pltpu.VMEM((_SPAN,), jnp.int32),
            pltpu.VMEM((_DEPTH, 256), jnp.float32),
            pltpu.VMEM((_DEPTH, _SPAN), jnp.float32),
            pltpu.SemaphoreType.DMA,
        ],
        compiler_params=pltpu.CompilerParams(
            use_tc_tiling_on_sc=True,
            needs_layout_passes=False,
            disable_bounds_checks=True,
            disable_semaphore_checks=True,
            skip_device_barrier=True,
        ),
    )
    out_t = gather(tablet, x)
    return jnp.transpose(out_t, (0, 2, 1))

# --- scband reference (transcript-rebuilt; emitter-appended) ---
"""Pipeline reference for scband-dsnembedding-59785944760342 (READ-ONLY COPY).

The authoritative reference and input builder live on the scoring server;
editing this copy changes nothing except your own understanding.
"""

import jax, jax.numpy as jnp
import numpy as np

MAX_DEPTH = 32
B, T = 4, 8192

def setup_inputs(seed: int = 0) -> dict:
    key = jax.random.key(seed)
    k1, k2 = jax.random.split(key)
    x = jax.random.randint(k1, (B, T), 0, 256, dtype=jnp.int64) if jax.config.jax_enable_x64 else jax.random.randint(k1, (B, T), 0, 256, dtype=jnp.int32)
    byte2dsn = jax.random.normal(k2, (256, MAX_DEPTH), dtype=jnp.float32)
    return {"x": x, "byte2dsn": byte2dsn}

def reference(x, byte2dsn):
    # dsn_vectors = self.byte2dsn[x]  -> gather rows of the table
    dsn_vectors = jnp.take(byte2dsn, x, axis=0)
    return dsn_vectors

if __name__ == "__main__":
    import jax
    _d = setup_inputs()
    print(jax.jit(kernel)(*tuple(_d.values())))

</pallas_src>

<mosaic_0001>
#map = affine_map<(d0, d1) -> (0, 0)>
#map1 = affine_map<(d0, d1) -> (0, 0, 0)>
module attributes {stable_mosaic.version = 14 : i64} {
  func.func @_gather_body(%arg0: i32, %arg1: i32, %arg2: memref<32x256xf32, #tpu.memory_space<hbm>>, %arg3: memref<4x8192xi32, #tpu.memory_space<hbm>>, %arg4: memref<4x32x8192xf32, #tpu.memory_space<hbm>>, %arg5: memref<1024xi32, #tpu.memory_space<vmem>>, %arg6: memref<32x256xf32, #tpu.memory_space<vmem>>, %arg7: memref<32x1024xf32, #tpu.memory_space<vmem>>, %arg8: memref<!tpu.dma_semaphore, #tpu.memory_space<semaphore_mem>>) attributes {dimension_semantics = [#tpu.dimension_semantics<core_parallel>, #tpu.dimension_semantics<subcore_parallel>], iteration_bounds = array<i64: 2, 16>, scalar_prefetch = 0 : i64, scratch_operands = 4 : i64, tpu.core_type = #tpu.core_type<sc_vector_subcore>, window_params = [{transform_indices = #map}, {transform_indices = #map}, {transform_indices = #map1}]} {
    %mul3A = arith.constant 2 : i32
    %mul3A_0 = arith.muli %arg1, %mul3A : i32
    %add3A = arith.addi %mul3A_0, %arg0 : i32
    %jit3A = arith.constant 8 : i32
    %div3A = arith.divsi %add3A, %jit3A : i32
    %sign3A = arith.constant 0 : i32
    %sign3A_1 = arith.cmpi sgt, %add3A, %sign3A : i32
    %sign3A_2 = arith.extui %sign3A_1 : i1 to i32
    %sign3A_3 = arith.constant 0 : i32
    %sign3A_4 = arith.cmpi slt, %add3A, %sign3A_3 : i32
    %sign3A_5 = arith.extui %sign3A_4 : i1 to i32
    %sign3A_6 = arith.subi %sign3A_2, %sign3A_5 : i32
    %sign3A_7 = arith.constant 0 : i32
    %sign3A_8 = arith.cmpi sgt, %jit3A, %sign3A_7 : i32
    %sign3A_9 = arith.extui %sign3A_8 : i1 to i32
    %sign3A_10 = arith.constant 0 : i32
    %sign3A_11 = arith.cmpi slt, %jit3A, %sign3A_10 : i32
    %sign3A_12 = arith.extui %sign3A_11 : i1 to i32
    %sign3A_13 = arith.subi %sign3A_9, %sign3A_12 : i32
    %ne3A = arith.cmpi ne, %sign3A_6, %sign3A_13 : i32
    %rem3A = arith.remsi %add3A, %jit3A : i32
    %ne3A_14 = arith.constant 0 : i32
    %ne3A_15 = arith.cmpi ne, %rem3A, %ne3A_14 : i32
    %and3A = arith.andi %ne3A, %ne3A_15 : i1
    %sub3A = arith.constant 1 : i32
    %sub3A_16 = arith.subi %div3A, %sub3A : i32
    %select_n3A = arith.select %and3A, %sub3A_16, %div3A : i32
    %jit3A_17 = arith.constant 8 : i32
    %eq3A = arith.constant 0 : i32
    %eq3A_18 = arith.cmpi eq, %jit3A_17, %eq3A : i32
    %jit3A_19 = arith.constant 1 : i32
    %select_n3A_20 = arith.select %eq3A_18, %jit3A_19, %jit3A_17 : i32
    %rem3A_21 = arith.remsi %add3A, %select_n3A_20 : i32
    %ne3A_22 = arith.constant 0 : i32
    %ne3A_23 = arith.cmpi ne, %rem3A_21, %ne3A_22 : i32
    %lt3A = arith.constant 0 : i32
    %lt3A_24 = arith.cmpi slt, %rem3A_21, %lt3A : i32
    %lt3A_25 = arith.constant 0 : i32
    %lt3A_26 = arith.cmpi slt, %select_n3A_20, %lt3A_25 : i32
    %ne3A_27 = arith.xori %lt3A_24, %lt3A_26 : i1
    %and3A_28 = arith.andi %ne3A_27, %ne3A_23 : i1
    %add3A_29 = arith.addi %rem3A_21, %select_n3A_20 : i32
    %select_n3A_30 = arith.select %and3A_28, %add3A_29, %rem3A_21 : i32
    %mul3A_31 = arith.constant 1024 : i32
    %mul3A_32 = arith.muli %select_n3A_30, %mul3A_31 : i32
    tpu.enqueue_dma source(%arg2 : memref<32x256xf32, #tpu.memory_space<hbm>>) target(%arg6 : memref<32x256xf32, #tpu.memory_space<vmem>>) target_semaphore(%arg8 : memref<!tpu.dma_semaphore, #tpu.memory_space<semaphore_mem>>)
    %dma_start3A = tpu.memref_slice %arg3[%select_n3A, %mul3A_32] : memref<4x8192xi32, #tpu.memory_space<hbm>> -> memref<1x1024xi32, #tpu.memory_space<hbm>>
    %dma_start3A_33 = tpu.memref_squeeze %dma_start3A : memref<1x1024xi32, #tpu.memory_space<hbm>> -> memref<1024xi32, #tpu.memory_space<hbm>>
    %dma_start3A_34 = tpu.memref_slice %arg3[%select_n3A, %mul3A_32] : memref<4x8192xi32, #tpu.memory_space<hbm>> -> memref<1x1024xi32, #tpu.memory_space<hbm>>
    %dma_start3A_35 = tpu.memref_squeeze %dma_start3A_34 : memref<1x1024xi32, #tpu.memory_space<hbm>> -> memref<1024xi32, #tpu.memory_space<hbm>>
    tpu.enqueue_dma source(%dma_start3A_35 : memref<1024xi32, #tpu.memory_space<hbm>>) target(%arg5 : memref<1024xi32, #tpu.memory_space<vmem>>) target_semaphore(%arg8 : memref<!tpu.dma_semaphore, #tpu.memory_space<semaphore_mem>>)
    tpu.wait_dma2 semaphore(%arg8 : memref<!tpu.dma_semaphore, #tpu.memory_space<semaphore_mem>>) src(%arg2 : memref<32x256xf32, #tpu.memory_space<hbm>>) dst(%arg6 : memref<32x256xf32, #tpu.memory_space<vmem>>)
    %dma_wait3A = tpu.memref_slice %arg3[%select_n3A, %mul3A_32] : memref<4x8192xi32, #tpu.memory_space<hbm>> -> memref<1x1024xi32, #tpu.memory_space<hbm>>
    %dma_wait3A_36 = tpu.memref_squeeze %dma_wait3A : memref<1x1024xi32, #tpu.memory_space<hbm>> -> memref<1024xi32, #tpu.memory_space<hbm>>
    %dma_wait3A_37 = tpu.memref_slice %arg3[%select_n3A, %mul3A_32] : memref<4x8192xi32, #tpu.memory_space<hbm>> -> memref<1x1024xi32, #tpu.memory_space<hbm>>
    %dma_wait3A_38 = tpu.memref_squeeze %dma_wait3A_37 : memref<1x1024xi32, #tpu.memory_space<hbm>> -> memref<1024xi32, #tpu.memory_space<hbm>>
    tpu.wait_dma2 semaphore(%arg8 : memref<!tpu.dma_semaphore, #tpu.memory_space<semaphore_mem>>) src(%dma_wait3A_38 : memref<1024xi32, #tpu.memory_space<hbm>>) dst(%arg5 : memref<1024xi32, #tpu.memory_space<vmem>>)
    %broadcast_in_dim3A = arith.constant 0 : i32
    %broadcast_in_dim3A_39 = vector.broadcast %broadcast_in_dim3A : i32 to vector<16xi32>
    %broadcast_in_dim3A_40 = arith.constant 1 : i32
    %broadcast_in_dim3A_41 = vector.broadcast %broadcast_in_dim3A_40 : i32 to vector<16xi32>
    %broadcast_in_dim3A_42 = arith.constant 2 : i32
    %broadcast_in_dim3A_43 = vector.broadcast %broadcast_in_dim3A_42 : i32 to vector<16xi32>
    %broadcast_in_dim3A_44 = arith.constant 3 : i32
    %broadcast_in_dim3A_45 = vector.broadcast %broadcast_in_dim3A_44 : i32 to vector<16xi32>
    %broadcast_in_dim3A_46 = arith.constant 4 : i32
    %broadcast_in_dim3A_47 = vector.broadcast %broadcast_in_dim3A_46 : i32 to vector<16xi32>
    %broadcast_in_dim3A_48 = arith.constant 5 : i32
    %broadcast_in_dim3A_49 = vector.broadcast %broadcast_in_dim3A_48 : i32 to vector<16xi32>
    %broadcast_in_dim3A_50 = arith.constant 6 : i32
    %broadcast_in_dim3A_51 = vector.broadcast %broadcast_in_dim3A_50 : i32 to vector<16xi32>
    %broadcast_in_dim3A_52 = arith.constant 7 : i32
    %broadcast_in_dim3A_53 = vector.broadcast %broadcast_in_dim3A_52 : i32 to vector<16xi32>
    %broadcast_in_dim3A_54 = arith.constant 8 : i32
    %broadcast_in_dim3A_55 = vector.broadcast %broadcast_in_dim3A_54 : i32 to vector<16xi32>
    %broadcast_in_dim3A_56 = arith.constant 9 : i32
    %broadcast_in_dim3A_57 = vector.broadcast %broadcast_in_dim3A_56 : i32 to vector<16xi32>
    %broadcast_in_dim3A_58 = arith.constant 10 : i32
    %broadcast_in_dim3A_59 = vector.broadcast %broadcast_in_dim3A_58 : i32 to vector<16xi32>
    %broadcast_in_dim3A_60 = arith.constant 11 : i32
    %broadcast_in_dim3A_61 = vector.broadcast %broadcast_in_dim3A_60 : i32 to vector<16xi32>
    %broadcast_in_dim3A_62 = arith.constant 12 : i32
    %broadcast_in_dim3A_63 = vector.broadcast %broadcast_in_dim3A_62 : i32 to vector<16xi32>
    %broadcast_in_dim3A_64 = arith.constant 13 : i32
    %broadcast_in_dim3A_65 = vector.broadcast %broadcast_in_dim3A_64 : i32 to vector<16xi32>
    %broadcast_in_dim3A_66 = arith.constant 14 : i32
    %broadcast_in_dim3A_67 = vector.broadcast %broadcast_in_dim3A_66 : i32 to vector<16xi32>
    %broadcast_in_dim3A_68 = arith.constant 15 : i32
    %broadcast_in_dim3A_69 = vector.broadcast %broadcast_in_dim3A_68 : i32 to vector<16xi32>
    %broadcast_in_dim3A_70 = arith.constant 16 : i32
    %broadcast_in_dim3A_71 = vector.broadcast %broadcast_in_dim3A_70 : i32 to vector<16xi32>
    %broadcast_in_dim3A_72 = arith.constant 17 : i32
    %broadcast_in_dim3A_73 = vector.broadcast %broadcast_in_dim3A_72 : i32 to vector<16xi32>
    %broadcast_in_dim3A_74 = arith.constant 18 : i32
    %broadcast_in_dim3A_75 = vector.broadcast %broadcast_in_dim3A_74 : i32 to vector<16xi32>
    %broadcast_in_dim3A_76 = arith.constant 19 : i32
    %broadcast_in_dim3A_77 = vector.broadcast %broadcast_in_dim3A_76 : i32 to vector<16xi32>
    %broadcast_in_dim3A_78 = arith.constant 20 : i32
    %broadcast_in_dim3A_79 = vector.broadcast %broadcast_in_dim3A_78 : i32 to vector<16xi32>
    %broadcast_in_dim3A_80 = arith.constant 21 : i32
    %broadcast_in_dim3A_81 = vector.broadcast %broadcast_in_dim3A_80 : i32 to vector<16xi32>
    %broadcast_in_dim3A_82 = arith.constant 22 : i32
    %broadcast_in_dim3A_83 = vector.broadcast %broadcast_in_dim3A_82 : i32 to vector<16xi32>
    %broadcast_in_dim3A_84 = arith.constant 23 : i32
    %broadcast_in_dim3A_85 = vector.broadcast %broadcast_in_dim3A_84 : i32 to vector<16xi32>
    %broadcast_in_dim3A_86 = arith.constant 24 : i32
    %broadcast_in_dim3A_87 = vector.broadcast %broadcast_in_dim3A_86 : i32 to vector<16xi32>
    %broadcast_in_dim3A_88 = arith.constant 25 : i32
    %broadcast_in_dim3A_89 = vector.broadcast %broadcast_in_dim3A_88 : i32 to vector<16xi32>
    %broadcast_in_dim3A_90 = arith.constant 26 : i32
    %broadcast_in_dim3A_91 = vector.broadcast %broadcast_in_dim3A_90 : i32 to vector<16xi32>
    %broadcast_in_dim3A_92 = arith.constant 27 : i32
    %broadcast_in_dim3A_93 = vector.broadcast %broadcast_in_dim3A_92 : i32 to vector<16xi32>
    %broadcast_in_dim3A_94 = arith.constant 28 : i32
    %broadcast_in_dim3A_95 = vector.broadcast %broadcast_in_dim3A_94 : i32 to vector<16xi32>
    %broadcast_in_dim3A_96 = arith.constant 29 : i32
    %broadcast_in_dim3A_97 = vector.broadcast %broadcast_in_dim3A_96 : i32 to vector<16xi32>
    %broadcast_in_dim3A_98 = arith.constant 30 : i32
    %broadcast_in_dim3A_99 = vector.broadcast %broadcast_in_dim3A_98 : i32 to vector<16xi32>
    %broadcast_in_dim3A_100 = arith.constant 31 : i32
    %broadcast_in_dim3A_101 = vector.broadcast %broadcast_in_dim3A_100 : i32 to vector<16xi32>
    %parallel_loop3A = arith.constant 0 : i32
    %parallel_loop3A_102 = arith.constant 1024 : i32
    %parallel_loop3A_103 = arith.constant 16 : i32
    scf.for %parallel_loop3A_104 = %parallel_loop3A to %parallel_loop3A_102 step %parallel_loop3A_103  : i32 {
      %parallel_loop3A_105 = arith.index_cast %parallel_loop3A_104 : i32 to index
      %parallel_loop3A_106 = tpu.vector_load %arg5[%parallel_loop3A_105] {strides = array<i32>} : memref<1024xi32, #tpu.memory_space<vmem>>, vector<16xi32>,
      %parallel_loop3A_107 = tpu.vector_load_idx %arg6[%broadcast_in_dim3A_39, %parallel_loop3A_106] : memref<32x256xf32, #tpu.memory_space<vmem>>[vector<16xi32>, vector<16xi32>], vector<16xf32>,
      %parallel_loop3A_108 = arith.constant 0 : i32
      %parallel_loop3A_109 = arith.index_cast %parallel_loop3A_108 : i32 to index
      %parallel_loop3A_110 = arith.index_cast %parallel_loop3A_104 : i32 to index
      %parallel_loop3A_111 = tpu.vector_load %arg7[%parallel_loop3A_109, %parallel_loop3A_110] {strides = array<i32>} : memref<32x1024xf32, #tpu.memory_space<vmem>>, vector<16xf32>,
      tpu.vector_store %arg7[%parallel_loop3A_109, %parallel_loop3A_110], %parallel_loop3A_107 {strides = array<i32>} : memref<32x1024xf32, #tpu.memory_space<vmem>>, vector<16xf32>,
      %parallel_loop3A_112 = tpu.vector_load_idx %arg6[%broadcast_in_dim3A_41, %parallel_loop3A_106] : memref<32x256xf32, #tpu.memory_space<vmem>>[vector<16xi32>, vector<16xi32>], vector<16xf32>,
      %parallel_loop3A_113 = arith.constant 1 : i32
      %parallel_loop3A_114 = arith.index_cast %parallel_loop3A_113 : i32 to index
      %parallel_loop3A_115 = arith.index_cast %parallel_loop3A_104 : i32 to index
      %parallel_loop3A_116 = tpu.vector_load %arg7[%parallel_loop3A_114, %parallel_loop3A_115] {strides = array<i32>} : memref<32x1024xf32, #tpu.memory_space<vmem>>, vector<16xf32>,
      tpu.vector_store %arg7[%parallel_loop3A_114, %parallel_loop3A_115], %parallel_loop3A_112 {strides = array<i32>} : memref<32x1024xf32, #tpu.memory_space<vmem>>, vector<16xf32>,
      %parallel_loop3A_117 = tpu.vector_load_idx %arg6[%broadcast_in_dim3A_43, %parallel_loop3A_106] : memref<32x256xf32, #tpu.memory_space<vmem>>[vector<16xi32>, vector<16xi32>], vector<16xf32>,
      %parallel_loop3A_118 = arith.constant 2 : i32
      %parallel_loop3A_119 = arith.index_cast %parallel_loop3A_118 : i32 to index
      %parallel_loop3A_120 = arith.index_cast %parallel_loop3A_104 : i32 to index
      %parallel_loop3A_121 = tpu.vector_load %arg7[%parallel_loop3A_119, %parallel_loop3A_120] {strides = array<i32>} : memref<32x1024xf32, #tpu.memory_space<vmem>>, vector<16xf32>,
      tpu.vector_store %arg7[%parallel_loop3A_119, %parallel_loop3A_120], %parallel_loop3A_117 {strides = array<i32>} : memref<32x1024xf32, #tpu.memory_space<vmem>>, vector<16xf32>,
      %parallel_loop3A_122 = tpu.vector_load_idx %arg6[%broadcast_in_dim3A_45, %parallel_loop3A_106] : memref<32x256xf32, #tpu.memory_space<vmem>>[vector<16xi32>, vector<16xi32>], vector<16xf32>,
      %parallel_loop3A_123 = arith.constant 3 : i32
      %parallel_loop3A_124 = arith.index_cast %parallel_loop3A_123 : i32 to index
      %parallel_loop3A_125 = arith.index_cast %parallel_loop3A_104 : i32 to index
      %parallel_loop3A_126 = tpu.vector_load %arg7[%parallel_loop3A_124, %parallel_loop3A_125] {strides = array<i32>} : memref<32x1024xf32, #tpu.memory_space<vmem>>, vector<16xf32>,
      tpu.vector_store %arg7[%parallel_loop3A_124, %parallel_loop3A_125], %parallel_loop3A_122 {strides = array<i32>} : memref<32x1024xf32, #tpu.memory_space<vmem>>, vector<16xf32>,
      %parallel_loop3A_127 = tpu.vector_load_idx %arg6[%broadcast_in_dim3A_47, %parallel_loop3A_106] : memref<32x256xf32, #tpu.memory_space<vmem>>[vector<16xi32>, vector<16xi32>], vector<16xf32>,
      %parallel_loop3A_128 = arith.constant 4 : i32
      %parallel_loop3A_129 = arith.index_cast %parallel_loop3A_128 : i32 to index
      %parallel_loop3A_130 = arith.index_cast %parallel_loop3A_104 : i32 to index
      %parallel_loop3A_131 = tpu.vector_load %arg7[%parallel_loop3A_129, %parallel_loop3A_130] {strides = array<i32>} : memref<32x1024xf32, #tpu.memory_space<vmem>>, vector<16xf32>,
      tpu.vector_store %arg7[%parallel_loop3A_129, %parallel_loop3A_130], %parallel_loop3A_127 {strides = array<i32>} : memref<32x1024xf32, #tpu.memory_space<vmem>>, vector<16xf32>,
      %parallel_loop3A_132 = tpu.vector_load_idx %arg6[%broadcast_in_dim3A_49, %parallel_loop3A_106] : memref<32x256xf32, #tpu.memory_space<vmem>>[vector<16xi32>, vector<16xi32>], vector<16xf32>,
      %parallel_loop3A_133 = arith.constant 5 : i32
      %parallel_loop3A_134 = arith.index_cast %parallel_loop3A_133 : i32 to index
      %parallel_loop3A_135 = arith.index_cast %parallel_loop3A_104 : i32 to index
      %parallel_loop3A_136 = tpu.vector_load %arg7[%parallel_loop3A_134, %parallel_loop3A_135] {strides = array<i32>} : memref<32x1024xf32, #tpu.memory_space<vmem>>, vector<16xf32>,
      tpu.vector_store %arg7[%parallel_loop3A_134, %parallel_loop3A_135], %parallel_loop3A_132 {strides = array<i32>} : memref<32x1024xf32, #tpu.memory_space<vmem>>, vector<16xf32>,
      %parallel_loop3A_137 = tpu.vector_load_idx %arg6[%broadcast_in_dim3A_51, %parallel_loop3A_106] : memref<32x256xf32, #tpu.memory_space<vmem>>[vector<16xi32>, vector<16xi32>], vector<16xf32>,
      %parallel_loop3A_138 = arith.constant 6 : i32
      %parallel_loop3A_139 = arith.index_cast %parallel_loop3A_138 : i32 to index
      %parallel_loop3A_140 = arith.index_cast %parallel_loop3A_104 : i32 to index
      %parallel_loop3A_141 = tpu.vector_load %arg7[%parallel_loop3A_139, %parallel_loop3A_140] {strides = array<i32>} : memref<32x1024xf32, #tpu.memory_space<vmem>>, vector<16xf32>,
      tpu.vector_store %arg7[%parallel_loop3A_139, %parallel_loop3A_140], %parallel_loop3A_137 {strides = array<i32>} : memref<32x1024xf32, #tpu.memory_space<vmem>>, vector<16xf32>,
      %parallel_loop3A_142 = tpu.vector_load_idx %arg6[%broadcast_in_dim3A_53, %parallel_loop3A_106] : memref<32x256xf32, #tpu.memory_space<vmem>>[vector<16xi32>, vector<16xi32>], vector<16xf32>,
      %parallel_loop3A_143 = arith.constant 7 : i32
      %parallel_loop3A_144 = arith.index_cast %parallel_loop3A_143 : i32 to index
      %parallel_loop3A_145 = arith.index_cast %parallel_loop3A_104 : i32 to index
      %parallel_loop3A_146 = tpu.vector_load %arg7[%parallel_loop3A_144, %parallel_loop3A_145] {strides = array<i32>} : memref<32x1024xf32, #tpu.memory_space<vmem>>, vector<16xf32>,
      tpu.vector_store %arg7[%parallel_loop3A_144, %parallel_loop3A_145], %parallel_loop3A_142 {strides = array<i32>} : memref<32x1024xf32, #tpu.memory_space<vmem>>, vector<16xf32>,
      %parallel_loop3A_147 = tpu.vector_load_idx %arg6[%broadcast_in_dim3A_55, %parallel_loop3A_106] : memref<32x256xf32, #tpu.memory_space<vmem>>[vector<16xi32>, vector<16xi32>], vector<16xf32>,
      %parallel_loop3A_148 = arith.constant 8 : i32
      %parallel_loop3A_149 = arith.index_cast %parallel_loop3A_148 : i32 to index
      %parallel_loop3A_150 = arith.index_cast %parallel_loop3A_104 : i32 to index
      %parallel_loop3A_151 = tpu.vector_load %arg7[%parallel_loop3A_149, %parallel_loop3A_150] {strides = array<i32>} : memref<32x1024xf32, #tpu.memory_space<vmem>>, vector<16xf32>,
      tpu.vector_store %arg7[%parallel_loop3A_149, %parallel_loop3A_150], %parallel_loop3A_147 {strides = array<i32>} : memref<32x1024xf32, #tpu.memory_space<vmem>>, vector<16xf32>,
      %parallel_loop3A_152 = tpu.vector_load_idx %arg6[%broadcast_in_dim3A_57, %parallel_loop3A_106] : memref<32x256xf32, #tpu.memory_space<vmem>>[vector<16xi32>, vector<16xi32>], vector<16xf32>,
      %parallel_loop3A_153 = arith.constant 9 : i32
      %parallel_loop3A_154 = arith.index_cast %parallel_loop3A_153 : i32 to index
      %parallel_loop3A_155 = arith.index_cast %parallel_loop3A_104 : i32 to index
      %parallel_loop3A_156 = tpu.vector_load %arg7[%parallel_loop3A_154, %parallel_loop3A_155] {strides = array<i32>} : memref<32x1024xf32, #tpu.memory_space<vmem>>, vector<16xf32>,
      tpu.vector_store %arg7[%parallel_loop3A_154, %parallel_loop3A_155], %parallel_loop3A_152 {strides = array<i32>} : memref<32x1024xf32, #tpu.memory_space<vmem>>, vector<16xf32>,
      %parallel_loop3A_157 = tpu.vector_load_idx %arg6[%broadcast_in_dim3A_59, %parallel_loop3A_106] : memref<32x256xf32, #tpu.memory_space<vmem>>[vector<16xi32>, vector<16xi32>], vector<16xf32>,
      %parallel_loop3A_158 = arith.constant 10 : i32
      %parallel_loop3A_159 = arith.index_cast %parallel_loop3A_158 : i32 to index
      %parallel_loop3A_160 = arith.index_cast %parallel_loop3A_104 : i32 to index
      %parallel_loop3A_161 = tpu.vector_load %arg7[%parallel_loop3A_159, %parallel_loop3A_160] {strides = array<i32>} : memref<32x1024xf32, #tpu.memory_space<vmem>>, vector<16xf32>,
      tpu.vector_store %arg7[%parallel_loop3A_159, %parallel_loop3A_160], %parallel_loop3A_157 {strides = array<i32>} : memref<32x1024xf32, #tpu.memory_space<vmem>>, vector<16xf32>,
      %parallel_loop3A_162 = tpu.vector_load_idx %arg6[%broadcast_in_dim3A_61, %parallel_loop3A_106] : memref<32x256xf32, #tpu.memory_space<vmem>>[vector<16xi32>, vector<16xi32>], vector<16xf32>,
      %parallel_loop3A_163 = arith.constant 11 : i32
      %parallel_loop3A_164 = arith.index_cast %parallel_loop3A_163 : i32 to index
      %parallel_loop3A_165 = arith.index_cast %parallel_loop3A_104 : i32 to index
      %parallel_loop3A_166 = tpu.vector_load %arg7[%parallel_loop3A_164, %parallel_loop3A_165] {strides = array<i32>} : memref<32x1024xf32, #tpu.memory_space<vmem>>, vector<16xf32>,
      tpu.vector_store %arg7[%parallel_loop3A_164, %parallel_loop3A_165], %parallel_loop3A_162 {strides = array<i32>} : memref<32x1024xf32, #tpu.memory_space<vmem>>, vector<16xf32>,
      %parallel_loop3A_167 = tpu.vector_load_idx %arg6[%broadcast_in_dim3A_63, %parallel_loop3A_106] : memref<32x256xf32, #tpu.memory_space<vmem>>[vector<16xi32>, vector<16xi32>], vector<16xf32>,
      %parallel_loop3A_168 = arith.constant 12 : i32
      %parallel_loop3A_169 = arith.index_cast %parallel_loop3A_168 : i32 to index
      %parallel_loop3A_170 = arith.index_cast %parallel_loop3A_104 : i32 to index
      %parallel_loop3A_171 = tpu.vector_load %arg7[%parallel_loop3A_169, %parallel_loop3A_170] {strides = array<i32>} : memref<32x1024xf32, #tpu.memory_space<vmem>>, vector<16xf32>,
      tpu.vector_store %arg7[%parallel_loop3A_169, %parallel_loop3A_170], %parallel_loop3A_167 {strides = array<i32>} : memref<32x1024xf32, #tpu.memory_space<vmem>>, vector<16xf32>,
      %parallel_loop3A_172 = tpu.vector_load_idx %arg6[%broadcast_in_dim3A_65, %parallel_loop3A_106] : memref<32x256xf32, #tpu.memory_space<vmem>>[vector<16xi32>, vector<16xi32>], vector<16xf32>,
      %parallel_loop3A_173 = arith.constant 13 : i32
      %parallel_loop3A_174 = arith.index_cast %parallel_loop3A_173 : i32 to index
      %parallel_loop3A_175 = arith.index_cast %parallel_loop3A_104 : i32 to index
      %parallel_loop3A_176 = tpu.vector_load %arg7[%parallel_loop3A_174, %parallel_loop3A_175] {strides = array<i32>} : memref<32x1024xf32, #tpu.memory_space<vmem>>, vector<16xf32>,
      tpu.vector_store %arg7[%parallel_loop3A_174, %parallel_loop3A_175], %parallel_loop3A_172 {strides = array<i32>} : memref<32x1024xf32, #tpu.memory_space<vmem>>, vector<16xf32>,
      %parallel_loop3A_177 = tpu.vector_load_idx %arg6[%broadcast_in_dim3A_67, %parallel_loop3A_106] : memref<32x256xf32, #tpu.memory_space<vmem>>[vector<16xi32>, vector<16xi32>], vector<16xf32>,
      %parallel_loop3A_178 = arith.constant 14 : i32
      %parallel_loop3A_179 = arith.index_cast %parallel_loop3A_178 : i32 to index
      %parallel_loop3A_180 = arith.index_cast %parallel_loop3A_104 : i32 to index
      %parallel_loop3A_181 = tpu.vector_load %arg7[%parallel_loop3A_179, %parallel_loop3A_180] {strides = array<i32>} : memref<32x1024xf32, #tpu.memory_space<vmem>>, vector<16xf32>,
      tpu.vector_store %arg7[%parallel_loop3A_179, %parallel_loop3A_180], %parallel_loop3A_177 {strides = array<i32>} : memref<32x1024xf32, #tpu.memory_space<vmem>>, vector<16xf32>,
      %parallel_loop3A_182 = tpu.vector_load_idx %arg6[%broadcast_in_dim3A_69, %parallel_loop3A_106] : memref<32x256xf32, #tpu.memory_space<vmem>>[vector<16xi32>, vector<16xi32>], vector<16xf32>,
      %parallel_loop3A_183 = arith.constant 15 : i32
      %parallel_loop3A_184 = arith.index_cast %parallel_loop3A_183 : i32 to index
      %parallel_loop3A_185 = arith.index_cast %parallel_loop3A_104 : i32 to index
      %parallel_loop3A_186 = tpu.vector_load %arg7[%parallel_loop3A_184, %parallel_loop3A_185] {strides = array<i32>} : memref<32x1024xf32, #tpu.memory_space<vmem>>, vector<16xf32>,
      tpu.vector_store %arg7[%parallel_loop3A_184, %parallel_loop3A_185], %parallel_loop3A_182 {strides = array<i32>} : memref<32x1024xf32, #tpu.memory_space<vmem>>, vector<16xf32>,
      %parallel_loop3A_187 = tpu.vector_load_idx %arg6[%broadcast_in_dim3A_71, %parallel_loop3A_106] : memref<32x256xf32, #tpu.memory_space<vmem>>[vector<16xi32>, vector<16xi32>], vector<16xf32>,
      %parallel_loop3A_188 = arith.constant 16 : i32
      %parallel_loop3A_189 = arith.index_cast %parallel_loop3A_188 : i32 to index
      %parallel_loop3A_190 = arith.index_cast %parallel_loop3A_104 : i32 to index
      %parallel_loop3A_191 = tpu.vector_load %arg7[%parallel_loop3A_189, %parallel_loop3A_190] {strides = array<i32>} : memref<32x1024xf32, #tpu.memory_space<vmem>>, vector<16xf32>,
      tpu.vector_store %arg7[%parallel_loop3A_189, %parallel_loop3A_190], %parallel_loop3A_187 {strides = array<i32>} : memref<32x1024xf32, #tpu.memory_space<vmem>>, vector<16xf32>,
      %parallel_loop3A_192 = tpu.vector_load_idx %arg6[%broadcast_in_dim3A_73, %parallel_loop3A_106] : memref<32x256xf32, #tpu.memory_space<vmem>>[vector<16xi32>, vector<16xi32>], vector<16xf32>,
      %parallel_loop3A_193 = arith.constant 17 : i32
      %parallel_loop3A_194 = arith.index_cast %parallel_loop3A_193 : i32 to index
      %parallel_loop3A_195 = arith.index_cast %parallel_loop3A_104 : i32 to index
      %parallel_loop3A_196 = tpu.vector_load %arg7[%parallel_loop3A_194, %parallel_loop3A_195] {strides = array<i32>} : memref<32x1024xf32, #tpu.memory_space<vmem>>, vector<16xf32>,
      tpu.vector_store %arg7[%parallel_loop3A_194, %parallel_loop3A_195], %parallel_loop3A_192 {strides = array<i32>} : memref<32x1024xf32, #tpu.memory_space<vmem>>, vector<16xf32>,
      %parallel_loop3A_197 = tpu.vector_load_idx %arg6[%broadcast_in_dim3A_75, %parallel_loop3A_106] : memref<32x256xf32, #tpu.memory_space<vmem>>[vector<16xi32>, vector<16xi32>], vector<16xf32>,
      %parallel_loop3A_198 = arith.constant 18 : i32
      %parallel_loop3A_199 = arith.index_cast %parallel_loop3A_198 : i32 to index
      %parallel_loop3A_200 = arith.index_cast %parallel_loop3A_104 : i32 to index
      %parallel_loop3A_201 = tpu.vector_load %arg7[%parallel_loop3A_199, %parallel_loop3A_200] {strides = array<i32>} : memref<32x1024xf32, #tpu.memory_space<vmem>>, vector<16xf32>,
      tpu.vector_store %arg7[%parallel_loop3A_199, %parallel_loop3A_200], %parallel_loop3A_197 {strides = array<i32>} : memref<32x1024xf32, #tpu.memory_space<vmem>>, vector<16xf32>,
      %parallel_loop3A_202 = tpu.vector_load_idx %arg6[%broadcast_in_dim3A_77, %parallel_loop3A_106] : memref<32x256xf32, #tpu.memory_space<vmem>>[vector<16xi32>, vector<16xi32>], vector<16xf32>,
      %parallel_loop3A_203 = arith.constant 19 : i32
      %parallel_loop3A_204 = arith.index_cast %parallel_loop3A_203 : i32 to index
      %parallel_loop3A_205 = arith.index_cast %parallel_loop3A_104 : i32 to index
      %parallel_loop3A_206 = tpu.vector_load %arg7[%parallel_loop3A_204, %parallel_loop3A_205] {strides = array<i32>} : memref<32x1024xf32, #tpu.memory_space<vmem>>, vector<16xf32>,
      tpu.vector_store %arg7[%parallel_loop3A_204, %parallel_loop3A_205], %parallel_loop3A_202 {strides = array<i32>} : memref<32x1024xf32, #tpu.memory_space<vmem>>, vector<16xf32>,
      %parallel_loop3A_207 = tpu.vector_load_idx %arg6[%broadcast_in_dim3A_79, %parallel_loop3A_106] : memref<32x256xf32, #tpu.memory_space<vmem>>[vector<16xi32>, vector<16xi32>], vector<16xf32>,
      %parallel_loop3A_208 = arith.constant 20 : i32
      %parallel_loop3A_209 = arith.index_cast %parallel_loop3A_208 : i32 to index
      %parallel_loop3A_210 = arith.index_cast %parallel_loop3A_104 : i32 to index
      %parallel_loop3A_211 = tpu.vector_load %arg7[%parallel_loop3A_209, %parallel_loop3A_210] {strides = array<i32>} : memref<32x1024xf32, #tpu.memory_space<vmem>>, vector<16xf32>,
      tpu.vector_store %arg7[%parallel_loop3A_209, %parallel_loop3A_210], %parallel_loop3A_207 {strides = array<i32>} : memref<32x1024xf32, #tpu.memory_space<vmem>>, vector<16xf32>,
      %parallel_loop3A_212 = tpu.vector_load_idx %arg6[%broadcast_in_dim3A_81, %parallel_loop3A_106] : memref<32x256xf32, #tpu.memory_space<vmem>>[vector<16xi32>, vector<16xi32>], vector<16xf32>,
      %parallel_loop3A_213 = arith.constant 21 : i32
      %parallel_loop3A_214 = arith.index_cast %parallel_loop3A_213 : i32 to index
      %parallel_loop3A_215 = arith.index_cast %parallel_loop3A_104 : i32 to index
      %parallel_loop3A_216 = tpu.vector_load %arg7[%parallel_loop3A_214, %parallel_loop3A_215] {strides = array<i32>} : memref<32x1024xf32, #tpu.memory_space<vmem>>, vector<16xf32>,
      tpu.vector_store %arg7[%parallel_loop3A_214, %parallel_loop3A_215], %parallel_loop3A_212 {strides = array<i32>} : memref<32x1024xf32, #tpu.memory_space<vmem>>, vector<16xf32>,
      %parallel_loop3A_217 = tpu.vector_load_idx %arg6[%broadcast_in_dim3A_83, %parallel_loop3A_106] : memref<32x256xf32, #tpu.memory_space<vmem>>[vector<16xi32>, vector<16xi32>], vector<16xf32>,
      %parallel_loop3A_218 = arith.constant 22 : i32
      %parallel_loop3A_219 = arith.index_cast %parallel_loop3A_218 : i32 to index
      %parallel_loop3A_220 = arith.index_cast %parallel_loop3A_104 : i32 to index
      %parallel_loop3A_221 = tpu.vector_load %arg7[%parallel_loop3A_219, %parallel_loop3A_220] {strides = array<i32>} : memref<32x1024xf32, #tpu.memory_space<vmem>>, vector<16xf32>,
      tpu.vector_store %arg7[%parallel_loop3A_219, %parallel_loop3A_220], %parallel_loop3A_217 {strides = array<i32>} : memref<32x1024xf32, #tpu.memory_space<vmem>>, vector<16xf32>,
      %parallel_loop3A_222 = tpu.vector_load_idx %arg6[%broadcast_in_dim3A_85, %parallel_loop3A_106] : memref<32x256xf32, #tpu.memory_space<vmem>>[vector<16xi32>, vector<16xi32>], vector<16xf32>,
      %parallel_loop3A_223 = arith.constant 23 : i32
      %parallel_loop3A_224 = arith.index_cast %parallel_loop3A_223 : i32 to index
      %parallel_loop3A_225 = arith.index_cast %parallel_loop3A_104 : i32 to index
      %parallel_loop3A_226 = tpu.vector_load %arg7[%parallel_loop3A_224, %parallel_loop3A_225] {strides = array<i32>} : memref<32x1024xf32, #tpu.memory_space<vmem>>, vector<16xf32>,
      tpu.vector_store %arg7[%parallel_loop3A_224, %parallel_loop3A_225], %parallel_loop3A_222 {strides = array<i32>} : memref<32x1024xf32, #tpu.memory_space<vmem>>, vector<16xf32>,
      %parallel_loop3A_227 = tpu.vector_load_idx %arg6[%broadcast_in_dim3A_87, %parallel_loop3A_106] : memref<32x256xf32, #tpu.memory_space<vmem>>[vector<16xi32>, vector<16xi32>], vector<16xf32>,
      %parallel_loop3A_228 = arith.constant 24 : i32
      %parallel_loop3A_229 = arith.index_cast %parallel_loop3A_228 : i32 to index
      %parallel_loop3A_230 = arith.index_cast %parallel_loop3A_104 : i32 to index
      %parallel_loop3A_231 = tpu.vector_load %arg7[%parallel_loop3A_229, %parallel_loop3A_230] {strides = array<i32>} : memref<32x1024xf32, #tpu.memory_space<vmem>>, vector<16xf32>,
      tpu.vector_store %arg7[%parallel_loop3A_229, %parallel_loop3A_230], %parallel_loop3A_227 {strides = array<i32>} : memref<32x1024xf32, #tpu.memory_space<vmem>>, vector<16xf32>,
      %parallel_loop3A_232 = tpu.vector_load_idx %arg6[%broadcast_in_dim3A_89, %parallel_loop3A_106] : memref<32x256xf32, #tpu.memory_space<vmem>>[vector<16xi32>, vector<16xi32>], vector<16xf32>,
      %parallel_loop3A_233 = arith.constant 25 : i32
      %parallel_loop3A_234 = arith.index_cast %parallel_loop3A_233 : i32 to index
      %parallel_loop3A_235 = arith.index_cast %parallel_loop3A_104 : i32 to index
      %parallel_loop3A_236 = tpu.vector_load %arg7[%parallel_loop3A_234, %parallel_loop3A_235] {strides = array<i32>} : memref<32x1024xf32, #tpu.memory_space<vmem>>, vector<16xf32>,
      tpu.vector_store %arg7[%parallel_loop3A_234, %parallel_loop3A_235], %parallel_loop3A_232 {strides = array<i32>} : memref<32x1024xf32, #tpu.memory_space<vmem>>, vector<16xf32>,
      %parallel_loop3A_237 = tpu.vector_load_idx %arg6[%broadcast_in_dim3A_91, %parallel_loop3A_106] : memref<32x256xf32, #tpu.memory_space<vmem>>[vector<16xi32>, vector<16xi32>], vector<16xf32>,
      %parallel_loop3A_238 = arith.constant 26 : i32
      %parallel_loop3A_239 = arith.index_cast %parallel_loop3A_238 : i32 to index
      %parallel_loop3A_240 = arith.index_cast %parallel_loop3A_104 : i32 to index
      %parallel_loop3A_241 = tpu.vector_load %arg7[%parallel_loop3A_239, %parallel_loop3A_240] {strides = array<i32>} : memref<32x1024xf32, #tpu.memory_space<vmem>>, vector<16xf32>,
      tpu.vector_store %arg7[%parallel_loop3A_239, %parallel_loop3A_240], %parallel_loop3A_237 {strides = array<i32>} : memref<32x1024xf32, #tpu.memory_space<vmem>>, vector<16xf32>,
      %parallel_loop3A_242 = tpu.vector_load_idx %arg6[%broadcast_in_dim3A_93, %parallel_loop3A_106] : memref<32x256xf32, #tpu.memory_space<vmem>>[vector<16xi32>, vector<16xi32>], vector<16xf32>,
      %parallel_loop3A_243 = arith.constant 27 : i32
      %parallel_loop3A_244 = arith.index_cast %parallel_loop3A_243 : i32 to index
      %parallel_loop3A_245 = arith.index_cast %parallel_loop3A_104 : i32 to index
      %parallel_loop3A_246 = tpu.vector_load %arg7[%parallel_loop3A_244, %parallel_loop3A_245] {strides = array<i32>} : memref<32x1024xf32, #tpu.memory_space<vmem>>, vector<16xf32>,
      tpu.vector_store %arg7[%parallel_loop3A_244, %parallel_loop3A_245], %parallel_loop3A_242 {strides = array<i32>} : memref<32x1024xf32, #tpu.memory_space<vmem>>, vector<16xf32>,
      %parallel_loop3A_247 = tpu.vector_load_idx %arg6[%broadcast_in_dim3A_95, %parallel_loop3A_106] : memref<32x256xf32, #tpu.memory_space<vmem>>[vector<16xi32>, vector<16xi32>], vector<16xf32>,
      %parallel_loop3A_248 = arith.constant 28 : i32
      %parallel_loop3A_249 = arith.index_cast %parallel_loop3A_248 : i32 to index
      %parallel_loop3A_250 = arith.index_cast %parallel_loop3A_104 : i32 to index
      %parallel_loop3A_251 = tpu.vector_load %arg7[%parallel_loop3A_249, %parallel_loop3A_250] {strides = array<i32>} : memref<32x1024xf32, #tpu.memory_space<vmem>>, vector<16xf32>,
      tpu.vector_store %arg7[%parallel_loop3A_249, %parallel_loop3A_250], %parallel_loop3A_247 {strides = array<i32>} : memref<32x1024xf32, #tpu.memory_space<vmem>>, vector<16xf32>,
      %parallel_loop3A_252 = tpu.vector_load_idx %arg6[%broadcast_in_dim3A_97, %parallel_loop3A_106] : memref<32x256xf32, #tpu.memory_space<vmem>>[vector<16xi32>, vector<16xi32>], vector<16xf32>,
      %parallel_loop3A_253 = arith.constant 29 : i32
      %parallel_loop3A_254 = arith.index_cast %parallel_loop3A_253 : i32 to index
      %parallel_loop3A_255 = arith.index_cast %parallel_loop3A_104 : i32 to index
      %parallel_loop3A_256 = tpu.vector_load %arg7[%parallel_loop3A_254, %parallel_loop3A_255] {strides = array<i32>} : memref<32x1024xf32, #tpu.memory_space<vmem>>, vector<16xf32>,
      tpu.vector_store %arg7[%parallel_loop3A_254, %parallel_loop3A_255], %parallel_loop3A_252 {strides = array<i32>} : memref<32x1024xf32, #tpu.memory_space<vmem>>, vector<16xf32>,
      %parallel_loop3A_257 = tpu.vector_load_idx %arg6[%broadcast_in_dim3A_99, %parallel_loop3A_106] : memref<32x256xf32, #tpu.memory_space<vmem>>[vector<16xi32>, vector<16xi32>], vector<16xf32>,
      %parallel_loop3A_258 = arith.constant 30 : i32
      %parallel_loop3A_259 = arith.index_cast %parallel_loop3A_258 : i32 to index
      %parallel_loop3A_260 = arith.index_cast %parallel_loop3A_104 : i32 to index
      %parallel_loop3A_261 = tpu.vector_load %arg7[%parallel_loop3A_259, %parallel_loop3A_260] {strides = array<i32>} : memref<32x1024xf32, #tpu.memory_space<vmem>>, vector<16xf32>,
      tpu.vector_store %arg7[%parallel_loop3A_259, %parallel_loop3A_260], %parallel_loop3A_257 {strides = array<i32>} : memref<32x1024xf32, #tpu.memory_space<vmem>>, vector<16xf32>,
      %parallel_loop3A_262 = tpu.vector_load_idx %arg6[%broadcast_in_dim3A_101, %parallel_loop3A_106] : memref<32x256xf32, #tpu.memory_space<vmem>>[vector<16xi32>, vector<16xi32>], vector<16xf32>,
      %parallel_loop3A_263 = arith.constant 31 : i32
      %parallel_loop3A_264 = arith.index_cast %parallel_loop3A_263 : i32 to index
      %parallel_loop3A_265 = arith.index_cast %parallel_loop3A_104 : i32 to index
      %parallel_loop3A_266 = tpu.vector_load %arg7[%parallel_loop3A_264, %parallel_loop3A_265] {strides = array<i32>} : memref<32x1024xf32, #tpu.memory_space<vmem>>, vector<16xf32>,
      tpu.vector_store %arg7[%parallel_loop3A_264, %parallel_loop3A_265], %parallel_loop3A_262 {strides = array<i32>} : memref<32x1024xf32, #tpu.memory_space<vmem>>, vector<16xf32>,
    } {sc.loop_unroll_factor = 2 : i64, sc.parallel_access}
    "tpu.region"() ({
      %run_scoped3A = tpu.sem_alloc : memref<!tpu.dma_semaphore, #tpu.memory_space<semaphore_mem>>
      %dma_start3A_104 = arith.constant 0 : i32
      %dma_start3A_105 = tpu.memref_slice %arg4[%select_n3A, %dma_start3A_104, %mul3A_32] : memref<4x32x8192xf32, #tpu.memory_space<hbm>> -> memref<1x32x1024xf32, #tpu.memory_space<hbm>>
      %dma_start3A_106 = tpu.memref_squeeze %dma_start3A_105 : memref<1x32x1024xf32, #tpu.memory_space<hbm>> -> memref<32x1024xf32, #tpu.memory_space<hbm>>
      %dma_start3A_107 = arith.constant 0 : i32
      %dma_start3A_108 = tpu.memref_slice %arg4[%select_n3A, %dma_start3A_107, %mul3A_32] : memref<4x32x8192xf32, #tpu.memory_space<hbm>> -> memref<1x32x1024xf32, #tpu.memory_space<hbm>>
      %dma_start3A_109 = tpu.memref_squeeze %dma_start3A_108 : memref<1x32x1024xf32, #tpu.memory_space<hbm>> -> memref<32x1024xf32, #tpu.memory_space<hbm>>
      tpu.enqueue_dma source(%arg7 : memref<32x1024xf32, #tpu.memory_space<vmem>>) target(%dma_start3A_109 : memref<32x1024xf32, #tpu.memory_space<hbm>>) target_semaphore(%run_scoped3A : memref<!tpu.dma_semaphore, #tpu.memory_space<semaphore_mem>>)
      %dma_wait3A_110 = arith.constant 0 : i32
      %dma_wait3A_111 = tpu.memref_slice %arg4[%select_n3A, %dma_wait3A_110, %mul3A_32] : memref<4x32x8192xf32, #tpu.memory_space<hbm>> -> memref<1x32x1024xf32, #tpu.memory_space<hbm>>
      %dma_wait3A_112 = tpu.memref_squeeze %dma_wait3A_111 : memref<1x32x1024xf32, #tpu.memory_space<hbm>> -> memref<32x1024xf32, #tpu.memory_space<hbm>>
      %dma_wait3A_113 = arith.constant 0 : i32
      %dma_wait3A_114 = tpu.memref_slice %arg4[%select_n3A, %dma_wait3A_113, %mul3A_32] : memref<4x32x8192xf32, #tpu.memory_space<hbm>> -> memref<1x32x1024xf32, #tpu.memory_space<hbm>>
      %dma_wait3A_115 = tpu.memref_squeeze %dma_wait3A_114 : memref<1x32x1024xf32, #tpu.memory_space<hbm>> -> memref<32x1024xf32, #tpu.memory_space<hbm>>
      tpu.wait_dma2 semaphore(%run_scoped3A : memref<!tpu.dma_semaphore, #tpu.memory_space<semaphore_mem>>) src(%arg7 : memref<32x1024xf32, #tpu.memory_space<vmem>>) dst(%dma_wait3A_115 : memref<32x1024xf32, #tpu.memory_space<hbm>>)
      tpu.yield
    }) : () -> ()
    return
  }
}

</mosaic_0001>

<sc_bundles>
// kernel: kernel.3.cloned.1.call-start
scs
__scs_entry_jumppad:
0x0: {  	(pc) =	sbr.rel $0x88, $3  }
0x1: {  	(tag) =	ssettag $0x0;
	lr =	simm.s32 $0x1  }
0x2: {  	[smem:$0x3F9F] =	sst lr;
	_ =	strace $0xD0000000  }
0x3: {  	_ = 	snop  }
0x4: {  	_ = 	snop  }
0x5: {  	_ = 	snop  }
0x6: {  	_ = 	snop  }
0x7: {  	_ = 	snop  }
__scs_overlays_trampoline_lowered:
0x8: {  	[smem:$0x3FAE] =	sst s0  }
0x9: {  	[smem:$0x3FAF] =	sst s1  }
0xa: {  	[smem:$0x3FB0] =	sst s2  }
0xb: {  	[smem:$0x3FB1] =	sst s3  }
0xc: {  	[smem:$0x3FB2] =	sst s4  }
0xd: {  	[smem:$0x3FB3] =	sst s5  }
0xe: {  	[smem:$0x3FB4] =	sst s6  }
0xf: {  	[smem:$0x3FB5] =	sst s7  }
0x10: {  	[smem:$0x3FB6] =	sst s8  }
0x11: {  	[smem:$0x3FB7] =	sst s9;
	s0 =	simm.s32 @!p0 $0x0  }
0x12: {  	s1 =	sld [smem:$0x3F9D];
	s0 =	simm.s32 @p0 $0x1  }
0x13: {  	[smem:$0x3FB8] =	sst s0;
	s0 =	simm.s32 @!p1 $0x0  }
0x14: {  	s2 =	sld [smem:$0x3F9C];
	s0 =	simm.s32 @p1 $0x1  }
0x15: {  	[smem:$0x3FB9] =	sst s0;
	s0 =	simm.s32 @!p2 $0x0  }
0x16: {  	s3 =	sld [smem:$0x3FDB];
	s0 =	simm.s32 @p2 $0x1  }
0x17: {  	s4 =	simm.s32 $0x1BF5;
	[smem:$0x3FBB] =	sst s0  }
0x18: {  	s0 =	sld [smem:$0x3F9E];
	_ =	swait.ge [sflag:s4], $0x0  }
0x19: {  	s7 =	sld [smem:$0x3F9F]  }
0x1a: {  	s8 =	sadd.s32 $0xFFFFE003, lr  }
0x1b: {  	s9 =	sadd.s32 $0xFFFFFEF7, lr;
	s5 =	simm.s32 $0xFFFFFFFF;
	p2 =	slt.u32 s8, $0xFFFFF086  }
0x1c: {  	p1 =	slt.u32 s9, $0xF7A;
	s5 =	simm.s32 @!p2 $0x0  }
0x1d: {  	s5 =	simm.s32 @p1 $0x1;
	p0 =	seq.s32 s7, s2  }
0x1e: {  	s7 =	smul.u32 @!p0 $0xF7A, s2;
	p2 =	seq.s32 @!p0 s5, $0x0  }
0x1f: {  	s9 =	smul.u32 $0xF7A, s1;
	s8 =	simm.s32 @!p0 $0x1BF5;
	p2 =	por !p2, p0  }
0x20: {  	[sflag:s8] =	ssyncset.s32 @!p0 $0xFFFFF086;
	s6 =	sadd.s32 @!p0 s3, s7;
	s7 =	simm.s32 @!p0 $0x108  }
0x21: {  	s3 =	sadd.s32 s3, s9;
	s6 =	sadd.s32 @!p0 $0x88, s6;
	s7 =	simm.s32 @p2 $0x1082  }
0x22: {  	[simem:s7], [sflag:s8] =	dma.local @!p0 [hbm:s6], $0xF7A  }
0x23: {  	s9 =	sor.u32 $0xD0000000, s2;
	s6 =	simm.s32 $0x108;
	_ =	swait.ge @!p0 [sflag:s8], $0x0  }
0x24: {  	s3 =	sadd.s32 $0x88, s3;
	s6 =	simm.s32 @!p1 $0x1082;
	[sflag:s4] =	ssyncset.s32 $0xFFFFF086  }
0x25: {  	[simem:s6], [sflag:s4] =	dma.local [hbm:s3], $0xF7A  }
0x26: {  	[smem:$0x3F9F] =	sst s1;
	(tag) =	ssettag s2;
	_ =	strace s9  }
0x27: {  	s1 =	sld [smem:$0x3FAF]  }
0x28: {  	s2 =	sld [smem:$0x3FB0]  }
0x29: {  	s4 =	sld [smem:$0x3FB2]  }
0x2a: {  	p0 =	seq.s32 s5, $0x0;
	s5 =	sld [smem:$0x3FB3]  }
0x2b: {  	s6 =	sld [smem:$0x3FB4]  }
0x2c: {  	s7 =	sld [smem:$0x3FB5]  }
0x2d: {  	s3 =	simm.s32 $0x108;
	s8 =	sld [smem:$0x3FB6]  }
0x2e: {  	s3 =	simm.s32 @!p0 $0x1082;
	s9 =	sld [smem:$0x3FB7]  }
0x2f: {  	lr =	sadd.s32 s0, s3;
	s0 =	sld [smem:$0x3FAE]  }
0x30: {  	s3 =	sld [smem:$0x3FB1]  }
0x31: {  	[smem:$0x3FBA] =	sst s10  }
0x32: {  	s10 =	sld [smem:$0x3FB8];
	_ =	sdelay $0x3  }
0x33: {  	p0 =	seq.s32 s10, $0x1;
	s10 =	sld [smem:$0x3FBA];
	_ =	sdelay $0x3  }
0x34: {  	[smem:$0x3FBA] =	sst s10  }
0x35: {  	s10 =	sld [smem:$0x3FB9];
	_ =	sdelay $0x3  }
0x36: {  	p1 =	seq.s32 s10, $0x1;
	s10 =	sld [smem:$0x3FBA];
	_ =	sdelay $0x3  }
0x37: {  	[smem:$0x3FBA] =	sst s10  }
0x38: {  	s10 =	sld [smem:$0x3FBB]  }
0x39: {  	_ = 	snop;
	(pc) =	sbr.ind lr, $3  }
0x3a: {  	_ = 	snop  }
0x3b: {  	_ = 	snop  }
0x3c: {  	p2 =	seq.s32 s10, $0x1;
	s10 =	sld [smem:$0x3FBA]  }
0x3d: {  	_ =	shalt  }
0x3e: {  	_ =	shalt  }
0x3f: {  	_ =	shalt  }
0x40: {  	_ =	shalt  }
0x41: {  	_ =	shalt  }
0x42: {  	_ =	shalt  }
0x43: {  	_ =	shalt  }
0x44: {  	_ =	shalt  }
0x45: {  	_ =	shalt  }
0x46: {  	_ =	shalt  }
0x47: {  	_ =	shalt  }
0x48: {  	_ =	shalt  }
0x49: {  	_ =	shalt  }
0x4a: {  	_ =	shalt  }
0x4b: {  	_ =	shalt  }
0x4c: {  	_ =	shalt  }
0x4d: {  	_ =	shalt  }
0x4e: {  	_ =	shalt  }
0x4f: {  	_ =	shalt  }
0x50: {  	_ =	shalt  }
0x51: {  	_ =	shalt  }
0x52: {  	_ =	shalt  }
0x53: {  	_ =	shalt  }
0x54: {  	_ =	shalt  }
0x55: {  	_ =	shalt  }
0x56: {  	_ =	shalt  }
0x57: {  	_ =	shalt  }
0x58: {  	_ =	shalt  }
0x59: {  	_ =	shalt  }
0x5a: {  	_ =	shalt  }
0x5b: {  	_ =	shalt  }
0x5c: {  	_ =	shalt  }
0x5d: {  	_ =	shalt  }
0x5e: {  	_ =	shalt  }
0x5f: {  	_ =	shalt  }
0x60: {  	_ =	shalt  }
0x61: {  	_ =	shalt  }
0x62: {  	_ =	shalt  }
0x63: {  	_ =	shalt  }
0x64: {  	_ =	shalt  }
0x65: {  	_ =	shalt  }
0x66: {  	_ =	shalt  }
0x67: {  	_ =	shalt  }
0x68: {  	_ =	shalt  }
0x69: {  	_ =	shalt  }
0x6a: {  	_ =	shalt  }
0x6b: {  	_ =	shalt  }
0x6c: {  	_ =	shalt  }
0x6d: {  	_ =	shalt  }
0x6e: {  	_ =	shalt  }
0x6f: {  	_ =	shalt  }
0x70: {  	_ =	shalt  }
0x71: {  	_ =	shalt  }
0x72: {  	_ =	shalt  }
0x73: {  	_ =	shalt  }
0x74: {  	_ =	shalt  }
0x75: {  	_ =	shalt  }
0x76: {  	_ =	shalt  }
0x77: {  	_ =	shalt  }
0x78: {  	_ =	shalt  }
0x79: {  	_ =	shalt  }
0x7a: {  	_ =	shalt  }
0x7b: {  	_ =	shalt  }
0x7c: {  	_ =	shalt  }
0x7d: {  	_ =	shalt  }
0x7e: {  	_ =	shalt  }
0x7f: {  	_ =	shalt  }
0x80: {  	_ =	shalt  }
0x81: {  	_ =	shalt  }
0x82: {  	_ =	shalt  }
0x83: {  	_ =	shalt  }
0x84: {  	_ =	shalt  }
0x85: {  	_ =	shalt  }
0x86: {  	_ =	shalt  }
0x87: {  	_ =	shalt  }
.Lfunc_end0:
.L_simem_size_0:
called_computation_lowered:
.L_overlay_start_0:
0x88: {  	s2 =	sld [smem:$0x3FD9]  }
0x89: {  	s3 =	sld [smem:$0x3FFE];
	_ =	sdelay $0x1  }
0x8a: {  	s1 =	srdreg.scid  }
0x8b: {  	s0 =	sand.u32 $0x1, s1  }
0x8c: {  	s18 =	sshll.u32 s0, $0xA;
	s2 =	sadd.s32 s3, s2  }
0x8d: {  	s2 =	sadd.s32 s2, s18  }
0x8e: {  	[smem:$0x3FC6] =	sst s2  }
0x8f: {  	_ = 	snop  }
0x90: {  	s2 =	sld [smem:$0x3FC9]  }
0x91: {  	s19 =	sld [smem:$0x3FC8]  }
0x92: {  	s4 =	sld [smem:$0x3FD0];
	(tm) =	ssettm $0x1  }
0x93: {  	s5 =	sld [smem:$0x3FFB];
	_ =	sdelay $0x3  }
0x94: {  	_ =	strace s5  }
0x95: {  	s5 =	sld [smem:$0x3FFC];
	_ =	sdelay $0x3  }
0x96: {  	_ =	strace s5  }
0x97: {  	s5 =	sld [smem:$0x3FFD];
	_ =	sdelay $0x3  }
0x98: {  	_ =	strace s5  }
0x99: {  	_ =	strace $0x8FFFFFFF  }
0x9a: {  	s20 =	sld [smem:$0x3FDB];
	_ =	sdelay $0x1  }
0x9b: {  	s6 =	simm.s32 $_scs_section_size  }
0x9c: {  	s7 =	simm.s32 $_size__tile_overlayer_lowered;
	s8 =	simm.s32 $_tile_overlayer_lowered  }
0x9d: {  	s23 =	simm.s32 $0x1BFF;
	s22 =	sshll.u32 s8, $0x1;
	s5 =	sadd.s32 s6, s20  }
0x9e: {  	s9 =	simm.s32 $0x0;
	s21 =	sshll.u32 s7, $0x1;
	s7 =	sadd.s32 s22, s5  }
0x9f: {  	[timem:s9], [sflag:s23] =	dma.local [hbm:s7], s21  }
0xa0: {  	_ =	swait.ge [sflag:s23], s21  }
0xa1: {  	s6 =	ssub.s32 $0x0, s21;
	[sflag:s23] =	ssyncset.done $0x0  }
0xa2: {  	[sflag:s23] =	ssyncadd.s32 s6;
	_ =	sdelay $0x1  }
0xa3: {  	s24 =	simm.s32 $0x1B8B  }
0xa4: {  	_ =	swait.ge [sflag:s24], $0x1  }
0xa5: {  	[sflag:s24] =	ssyncset.done $0x0  }
0xa6: {  	s25 =	simm.s32 $0x1B8E;
	[sflag:s24] =	ssyncadd.s32 $0xFFFFFFFF  }
0xa7: {  	s26 =	simm.s32 $execute0_lowered;
	[smem:$0x3FD2] =	sst s25  }
0xa8: {  	s6 =	sshll.u32 s26, $0x1;
	_ =	strace $0x80000046;
	[dreg:$0x1] =	wrdreg $0xFFFFFFFF  }
0xa9: {  	s28 =	simm.s32 $_size_execute0_lowered;
	s5 =	sadd.s32 s5, s6;
	[dreg:$0x0] =	wrdreg $0x0  }
0xaa: {  	s6 =	sshll.u32 s28, $0x1;
	[dreg:$0x2] =	wrdreg s5  }
0xab: {  	[dreg:$0x3] =	wrdreg s6  }
0xac: {  	[dreg:$0x4] =	wrdreg $0xC0  }
0xad: {  	_ =	task [dreg:s9], $0x5FFFF  }
0xae: {  	[dreg:$0x1] =	wrdreg $0xFFFFFFFF  }
0xaf: {  	[dreg:$0x0] =	wrdreg $0x60  }
0xb0: {  	[dreg:$0x2] =	wrdreg s19  }
0xb1: {  	[dreg:$0x3] =	wrdreg s2  }
0xb2: {  	[dreg:$0x4] =	wrdreg s4  }
0xb3: {  	[dreg:$0x5] =	wrdreg $0x9  }
0xb4: {  	_ =	task.clear_ibuf [dreg:s9], $0x6FFFF;
	_ =	strace $0x90000046  }
0xb5: {  	s29 =	simm.s32 $0x9;
	_ =	strace $0x80000048  }
0xb6: {  	_ =	swait.ge [sflag:s29], $0x1  }
0xb7: {  	[sflag:s29] =	ssyncadd.s32 $0xFFFFFFFF  }
0xb8: {  	_ =	strace $0x90000048  }
0xb9: {  	_ =	sfence  }
0xba: {  	s30 =	sld [smem:$0x0];
	_ =	sdelay $0x2  }
0xbb: {  	s31 =	sshll.u32 s1, $0xD;
	s1 =	sshrl.u32 s1, $0x2  }
0xbc: {  	s3 =	sand.u32 $0x4000, s31;
	s1 =	sadd.s32 s1, s30  }
0xbd: {  	s0 =	sor.u32 s3, s0;
	s1 =	sshll.u32 s1, $0x11  }
0xbe: {  	s0 =	sor.u32 s1, s0  }
0xbf: {  	s0 =	sadd.s32 $0x8F2B, s0  }
0xc0: {  	[sflag:s0] =	ssyncadd.remote.s32 $0x1  }
0xc1: {  	_ =	sfence.sel $0xFFFF  }
0xc2: {  	[dreg:$0x0] =	wrdreg $0xFFFFFFFF;
	(pc) =	sbr.abs _section_cstart, $3  }
0xc3: {  	[dreg:$0x1] =	wrdreg $0xFFFFFFFF  }
0xc4: {  	_ =	task.clear_ibuf [dreg:s9], $0x2FFFF;
	_ =	strace $0x9FFFFFFF  }
0xc5: {  	(tm) =	ssettm $0x7FFFFFFF  }
tec
execute0_lowered:
.L_overlay_start_1:
0x0: {  	(tag) =	ssettag $0x1  }
0x1: {  	s0 =	rddreg [dreg:$0x1]  }
0x2: {  	s1 =	rddreg [dreg:$0x2];
	s2 =	srdreg.scid  }
0x3: {  	s3 =	simm.s32 $0x0;
	s7 =	stileid.u32;
	s10 =	simm.s32 $0x1  }
0x4: {  	s14 =	simm.s32 $0x2;
	s15 =	simm.s32 $0x0;
	s2 =	sand.u32 $0x1, s2  }
0x5: {  	s5 =	sshll.u32 s7, $0x1;
	s30 =	sshrl.u32 s7, $0x2;
	s4 =	ssub.s32 $0x2, s2  }
0x6: {  	s5 =	sand.u32 $0x6, s5;
	s7 =	sshll.u32 s30, $0x4;
	s6 =	sshrl.u32 s4, $0x1  }
0x7: {  	s2 =	sor.u32 s2, s5;
	s0 =	sadd.s32 s0, s7;
	s4 =	ssub.s32 s4, s6  }
0x8: {  	s5 =	sshll.u32 s2, $0xA;
	s6 =	sshll.u32 s30, $0xF;
	s2 =	sshll.u32 s2, $0x9  }
0x9: {  	[smem:$0x7FF] =	sst s3;
	s1 =	sadd.s32 s1, s6;
	s0 =	sadd.s32 s2, s0  }
0xa: {  	_ =	strace $0x80000047;
	[dreg:$0x4] =	wrdreg s0;
	s31 =	sadd.s32 s5, s1  }
0xb: {  	s7 =	simm.s32 $0x400;
	s6 =	smax.u32 s4, $0x1;
	[dreg:$0x5] =	wrdreg s31  }
.LBB2_1:
0xc: {  	s0 =	rddreg [dreg:$0x0]  }
0xd: {  	[tilespmem:s7], [sflag:$0x1] =	stream.linear.gather [hbm4b:s0+s3], $0x2000, $0x38;
	[tilespmem:$0xA400] =	vst v63  }
0xe: {  	s12 =	rddreg [dreg:$0x4];
	s1 =	simm.s32 $0x80;
	s2 =	simm.s32 $0x200  }
0xf: {  	[tilespmem:s3], [sflag:$0x1] =	stream.strided.gather [hbm4b:s12+s1], $0x400, s2, s1, $0x38;
	[tilespmem:$0xA400] =	vst v63  }
0x10: {  	_ =	swait.ge [sflag:s10], $0x2000  }
0x11: {  	[sflag:s10] =	ssyncset.done $0x0  }
0x12: {  	s13 =	simm.s32 $0x0;
	[sflag:s10] =	ssyncadd.s32 $0xFFFFE000  }
0x13: {  	s25 =	sand.u32 $0x60, s13;
	_ =	swait.ge [sflag:s10], $0x400  }
0x14: {  	s16 =	sand.u32 $0x380, s13;
	s26 =	sor.u32 $0x10, s25;
	[sflag:s10] =	ssyncset.done $0x0  }
0x15: {  	s1 =	sor.u32 s26, s16;
	[sflag:s10] =	ssyncadd.s32 $0xFFFFFC00  }
0x16: {  	v0 =	vld [tilespmem:s1+$0x0];
	_ =	sdelay $0x1  }
0x17: {  	v1 =	vld [tilespmem:s3+$0x0];
	_ =	sdelay $0x2  }
0x18: {  	v2 =	vshll.u32 v0, $0x3  }
0x19: {  	v0 =	vand.u32 $0x7F, v0;
	v2 =	vand.u32 $0xFFFFFC00, v2  }
0x1a: {  	v3 =	vshll.u32 v1, $0x3;
	v7 =	vor.u32 v0, v2  }
0x1b: {  	v0 =	vand.u32 $0x7F, v1;
	v1 =	vand.u32 $0xFFFFFC00, v3  }
0x1c: {  	v2 =	vor.u32 v0, v1;
	_ =	sdelay $0x2  }
0x1d: {  	v0 =	vld.idx.msk [tilespmem:v7+s7+$0x0], $0xffff  }
0x1e: {  	v1 =	vor.u32 $0x80, v7  }
0x1f: {  	s28 =	sand.u32 $0x1C00, s3;
	v3 =	vld.idx.msk [tilespmem:v2+s7+$0x0], $0xffff  }
0x20: {  	s17 =	sadd.s32 $0x2400, s28;
	v4 =	vor.u32 $0x80, v2  }
0x21: {  	s18 =	sor.u32 s26, s17  }
0x22: {  	[tilespmem:s18+$0x0] =	vst v0  }
0x23: {  	s1 =	sor.u32 s25, s17;
	v0 =	vld.idx.msk [tilespmem:v1+s7+$0x0], $0xffff  }
0x24: {  	[tilespmem:s1+$0x0] =	vst v3;
	v1 =	vor.u32 $0x100, v7  }
0x25: {  	v3 =	vld.idx.msk [tilespmem:v4+s7+$0x0], $0xffff  }
0x26: {  	v4 =	vor.u32 $0x100, v2;
	_ =	sdelay $0x1  }
0x27: {  	[tilespmem:s18+$0x80] =	vst v0  }
0x28: {  	v0 =	vld.idx.msk [tilespmem:v1+s7+$0x0], $0xffff  }
0x29: {  	[tilespmem:s1+$0x80] =	vst v3;
	v1 =	vor.u32 $0x180, v7  }
0x2a: {  	v3 =	vld.idx.msk [tilespmem:v4+s7+$0x0], $0xffff  }
0x2b: {  	v4 =	vor.u32 $0x180, v2;
	_ =	sdelay $0x1  }
0x2c: {  	[tilespmem:s18+$0x100] =	vst v0  }
0x2d: {  	v0 =	vld.idx.msk [tilespmem:v1+s7+$0x0], $0xffff  }
0x2e: {  	[tilespmem:s1+$0x100] =	vst v3;
	v1 =	vor.u32 $0x200, v7  }
0x2f: {  	v3 =	vld.idx.msk [tilespmem:v4+s7+$0x0], $0xffff  }
0x30: {  	v4 =	vor.u32 $0x200, v2;
	_ =	sdelay $0x1  }
0x31: {  	[tilespmem:s18+$0x180] =	vst v0  }
0x32: {  	v0 =	vld.idx.msk [tilespmem:v1+s7+$0x0], $0xffff  }
0x33: {  	[tilespmem:s1+$0x180] =	vst v3;
	v1 =	vor.u32 $0x280, v7  }
0x34: {  	v3 =	vld.idx.msk [tilespmem:v4+s7+$0x0], $0xffff  }
0x35: {  	v4 =	vor.u32 $0x280, v2;
	_ =	sdelay $0x1  }
0x36: {  	[tilespmem:s18+$0x200] =	vst v0  }
0x37: {  	v0 =	vld.idx.msk [tilespmem:v1+s7+$0x0], $0xffff  }
0x38: {  	[tilespmem:s1+$0x200] =	vst v3;
	v1 =	vor.u32 $0x300, v7  }
0x39: {  	v3 =	vld.idx.msk [tilespmem:v4+s7+$0x0], $0xffff  }
0x3a: {  	v4 =	vor.u32 $0x300, v2;
	_ =	sdelay $0x1  }
0x3b: {  	[tilespmem:s18+$0x280] =	vst v0  }
0x3c: {  	s19 =	sand.u32 $0x3, s3;
	v0 =	vld.idx.msk [tilespmem:v1+s7+$0x0], $0xffff  }
0x3d: {  	s20 =	sshll.u32 s19, $0x5;
	[tilespmem:s1+$0x280] =	vst v3;
	v1 =	vor.u32 $0x380, v7  }
0x3e: {  	s2 =	sadd.s32 $0x0, s20;
	v3 =	vld.idx.msk [tilespmem:v4+s7+$0x0], $0xffff  }
0x3f: {  	s4 =	sadd.s32 $0x10, s2;
	v4 =	vor.u32 $0x380, v2  }
0x40: {  	s21 =	sor.u32 $0x300, s4  }
0x41: {  	s1 =	simm.s32 $0x20;
	[tilespmem:s21+$0x2400] =	vst v0  }
0x42: {  	s2 =	sor.u32 $0x300, s2;
	s16 =	sand.u32 $0x60, s1;
	v0 =	vld.idx.msk [tilespmem:v1+s7+$0x0], $0xffff  }
0x43: {  	s22 =	sand.u32 $0x380, s1;
	s17 =	sor.u32 $0x10, s16;
	[tilespmem:s2+$0x2400] =	vst v3;
	v3 =	vadd.s32 $0x800, v7  }
0x44: {  	s2 =	sor.u32 s17, s22;
	v4 =	vld.idx.msk [tilespmem:v4+s7+$0x0], $0xffff  }
0x45: {  	s8 =	simm.s32 $0x20;
	v5 =	vadd.s32 $0x800, v2;
	v6 =	vld [tilespmem:s2+$0x0]  }
0x46: {  	s23 =	sor.u32 $0x380, s4;
	v1 =	vld [tilespmem:s8+$0x0]  }
0x47: {  	s0 =	sor.u32 s3, s13;
	[tilespmem:s23+$0x2400] =	vst v0  }
0x48: {  	s0 =	sor.u32 $0x380, s0;
	v3 =	vld.idx.msk [tilespmem:v3+s7+$0x0], $0xffff  }
0x49: {  	[tilespmem:s0+$0x2400] =	vst v4;
	v4 =	vadd.s32 $0x880, v7  }
0x4a: {  	v9 =	vadd.s32 $0x880, v2;
	v8 =	vshll.u32 v6, $0x3;
	v5 =	vld.idx.msk [tilespmem:v5+s7+$0x0], $0xffff  }
0x4b: {  	s24 =	sadd.s32 $0x4400, s28;
	v0 =	vshll.u32 v1, $0x3;
	v6 =	vand.u32 $0x7F, v6;
	v8 =	vand.u32 $0xFFFFFC00, v8  }
0x4c: {  	s4 =	sor.u32 s26, s24;
	v10 =	vand.u32 $0x7F, v1;
	v0 =	vand.u32 $0xFFFFFC00, v0;
	v1 =	vor.u32 v6, v8  }
0x4d: {  	v0 =	vor.u32 v10, v0;
	[tilespmem:s4+$0x0] =	vst v3  }
0x4e: {  	s0 =	sor.u32 s25, s24;
	v3 =	vld.idx.msk [tilespmem:v4+s7+$0x0], $0xffff  }
0x4f: {  	[tilespmem:s0+$0x0] =	vst v5;
	v4 =	vadd.s32 $0x900, v7  }
0x50: {  	v5 =	vld.idx.msk [tilespmem:v9+s7+$0x0], $0xffff  }
0x51: {  	s5 =	sadd.s32 $0x4480, s28;
	v8 =	vadd.s32 $0x900, v2;
	v6 =	vld.idx.msk [tilespmem:v1+s7+$0x0], $0xffff  }
0x52: {  	s8 =	sor.u32 s26, s5;
	s2 =	simm.s32 $0x100;
	v10 =	vor.u32 $0x80, v1;
	v9 =	vld.idx.msk [tilespmem:v0+s7+$0x0], $0xffff  }
0x53: {  	s18 =	sand.u32 $0x1C00, s2;
	[tilespmem:s8+$0x0] =	vst v3;
	v3 =	vor.u32 $0x80, v0  }
0x54: {  	s9 =	sadd.s32 $0x2400, s18;
	s0 =	sor.u32 s25, s5;
	v4 =	vld.idx.msk [tilespmem:v4+s7+$0x0], $0xffff  }
0x55: {  	s4 =	sor.u32 s17, s9;
	[tilespmem:s0+$0x0] =	vst v5;
	v5 =	vadd.s32 $0x980, v7  }
0x56: {  	s11 =	sor.u32 s16, s9;
	[tilespmem:s4+$0x0] =	vst v6;
	v6 =	vld.idx.msk [tilespmem:v8+s7+$0x0], $0xffff  }
0x57: {  	s12 =	sadd.s32 $0x4500, s28;
	[tilespmem:s11+$0x0] =	vst v9;
	v9 =	vadd.s32 $0x980, v2;
	v8 =	vld.idx.msk [tilespmem:v10+s7+$0x0], $0xffff  }
0x58: {  	s9 =	sor.u32 s26, s12;
	v10 =	vor.u32 $0x100, v1;
	v3 =	vld.idx.msk [tilespmem:v3+s7+$0x0], $0xffff  }
0x59: {  	[tilespmem:s9+$0x0] =	vst v4;
	v4 =	vor.u32 $0x100, v0  }
0x5a: {  	s8 =	sor.u32 s25, s12;
	v5 =	vld.idx.msk [tilespmem:v5+s7+$0x0], $0xffff  }
0x5b: {  	[tilespmem:s8+$0x0] =	vst v6;
	v6 =	vadd.s32 $0xA00, v7  }
0x5c: {  	[tilespmem:s4+$0x80] =	vst v8;
	v8 =	vld.idx.msk [tilespmem:v9+s7+$0x0], $0xffff  }
0x5d: {  	s13 =	sadd.s32 $0x4580, s28;
	v9 =	vld.idx.msk [tilespmem:v10+s7+$0x0], $0xffff;
	[tilespmem:s11+$0x80] =	vst v3;
	v3 =	vadd.s32 $0xA00, v2  }
0x5e: {  	s19 =	sor.u32 s26, s13;
	v10 =	vor.u32 $0x180, v1;
	v4 =	vld.idx.msk [tilespmem:v4+s7+$0x0], $0xffff  }
0x5f: {  	[tilespmem:s19+$0x0] =	vst v5;
	v5 =	vor.u32 $0x180, v0  }
0x60: {  	s8 =	sor.u32 s25, s13;
	v6 =	vld.idx.msk [tilespmem:v6+s7+$0x0], $0xffff  }
0x61: {  	[tilespmem:s8+$0x0] =	vst v8;
	v8 =	vadd.s32 $0xA80, v7  }
0x62: {  	[tilespmem:s4+$0x100] =	vst v9;
	v3 =	vld.idx.msk [tilespmem:v3+s7+$0x0], $0xffff  }
0x63: {  	s20 =	sadd.s32 $0x4600, s28;
	v9 =	vld.idx.msk [tilespmem:v10+s7+$0x0], $0xffff;
	[tilespmem:s11+$0x100] =	vst v4;
	v4 =	vadd.s32 $0xA80, v2  }
0x64: {  	s21 =	sor.u32 s26, s20;
	v10 =	vor.u32 $0x200, v1;
	v5 =	vld.idx.msk [tilespmem:v5+s7+$0x0], $0xffff  }
0x65: {  	[tilespmem:s21+$0x0] =	vst v6;
	v6 =	vor.u32 $0x200, v0  }
0x66: {  	s8 =	sor.u32 s25, s20;
	v8 =	vld.idx.msk [tilespmem:v8+s7+$0x0], $0xffff  }
0x67: {  	[tilespmem:s8+$0x0] =	vst v3;
	v3 =	vadd.s32 $0xB00, v7  }
0x68: {  	[tilespmem:s4+$0x180] =	vst v9;
	v4 =	vld.idx.msk [tilespmem:v4+s7+$0x0], $0xffff  }
0x69: {  	s22 =	sadd.s32 $0x4680, s28;
	v9 =	vld.idx.msk [tilespmem:v10+s7+$0x0], $0xffff;
	[tilespmem:s11+$0x180] =	vst v5;
	v5 =	vadd.s32 $0xB00, v2  }
0x6a: {  	s23 =	sor.u32 s26, s22;
	v10 =	vor.u32 $0x280, v1;
	v6 =	vld.idx.msk [tilespmem:v6+s7+$0x0], $0xffff  }
0x6b: {  	[tilespmem:s23+$0x0] =	vst v8;
	v8 =	vor.u32 $0x280, v0  }
0x6c: {  	s8 =	sor.u32 s25, s22;
	v3 =	vld.idx.msk [tilespmem:v3+s7+$0x0], $0xffff  }
0x6d: {  	[tilespmem:s8+$0x0] =	vst v4;
	v4 =	vadd.s32 $0xB80, v7  }
0x6e: {  	[tilespmem:s4+$0x200] =	vst v9;
	v5 =	vld.idx.msk [tilespmem:v5+s7+$0x0], $0xffff  }
0x6f: {  	s24 =	sadd.s32 $0x4700, s28;
	v9 =	vld.idx.msk [tilespmem:v10+s7+$0x0], $0xffff;
	[tilespmem:s11+$0x200] =	vst v6;
	v6 =	vadd.s32 $0xB80, v2  }
0x70: {  	s5 =	sor.u32 s26, s24;
	v10 =	vor.u32 $0x300, v1;
	v8 =	vld.idx.msk [tilespmem:v8+s7+$0x0], $0xffff  }
0x71: {  	[tilespmem:s5+$0x0] =	vst v3;
	v3 =	vor.u32 $0x300, v0  }
0x72: {  	s8 =	sor.u32 s25, s24;
	v4 =	vld.idx.msk [tilespmem:v4+s7+$0x0], $0xffff  }
0x73: {  	[tilespmem:s8+$0x0] =	vst v5;
	v5 =	vadd.s32 $0x1000, v7  }
0x74: {  	s9 =	simm.s32 $0x1;
	[tilespmem:s4+$0x280] =	vst v9;
	v6 =	vld.idx.msk [tilespmem:v6+s7+$0x0], $0xffff  }
0x75: {  	s4 =	sand.u32 $0x3, s9;
	v9 =	vld.idx.msk [tilespmem:v10+s7+$0x0], $0xffff;
	[tilespmem:s11+$0x280] =	vst v8;
	s11 =	sadd.s32 $0x4780, s28;
	v8 =	vadd.s32 $0x1000, v2  }
0x76: {  	s4 =	sshll.u32 s4, $0x5;
	v10 =	vor.u32 $0x380, v1;
	v3 =	vld.idx.msk [tilespmem:v3+s7+$0x0], $0xffff;
	s12 =	sor.u32 s26, s11  }
0x77: {  	s4 =	sadd.s32 $0x100, s4;
	[tilespmem:s12+$0x0] =	vst v4;
	v4 =	vor.u32 $0x380, v0  }
0x78: {  	s13 =	sadd.s32 $0x10, s4;
	s0 =	sor.u32 s25, s11;
	v5 =	vld.idx.msk [tilespmem:v5+s7+$0x0], $0xffff  }
0x79: {  	s21 =	sor.u32 $0x300, s13;
	[tilespmem:s0+$0x0] =	vst v6;
	v6 =	vadd.s32 $0x1080, v7;
	s0 =	simm.s32 $0x40  }
0x7a: {  	s4 =	sor.u32 $0x300, s4;
	[tilespmem:s21+$0x2400] =	vst v9;
	v8 =	vld.idx.msk [tilespmem:v8+s7+$0x0], $0xffff;
	s19 =	sand.u32 $0x60, s0  }
0x7b: {  	s22 =	sadd.s32 $0x6400, s28;
	v9 =	vld.idx.msk [tilespmem:v10+s7+$0x0], $0xffff;
	s23 =	sand.u32 $0x380, s0;
	[tilespmem:s4+$0x2400] =	vst v3;
	v3 =	vadd.s32 $0x1080, v2;
	s20 =	sor.u32 $0x10, s19  }
0x7c: {  	s11 =	sor.u32 s26, s22;
	v10 =	vadd.s32 $0x800, v1;
	v4 =	vld.idx.msk [tilespmem:v4+s7+$0x0], $0xffff;
	s9 =	sor.u32 s20, s23  }
0x7d: {  	[tilespmem:s11+$0x0] =	vst v5;
	v5 =	vadd.s32 $0x800, v0;
	v11 =	vld [tilespmem:s9+$0x0]  }
0x7e: {  	s24 =	simm.s32 $0x40;
	s4 =	sor.u32 s25, s22;
	v6 =	vld.idx.msk [tilespmem:v6+s7+$0x0], $0xffff  }
0x7f: {  	s1 =	sor.u32 s2, s1;
	v12 =	vld [tilespmem:s24+$0x0];
	s5 =	sor.u32 $0x380, s13;
	[tilespmem:s4+$0x0] =	vst v8;
	v8 =	vadd.s32 $0x1100, v7  }
0x80: {  	s1 =	sor.u32 $0x380, s1;
	[tilespmem:s5+$0x2400] =	vst v9;
	v9 =	vld.idx.msk [tilespmem:v3+s7+$0x0], $0xffff  }
0x81: {  	v13 =	vadd.s32 $0x1100, v2;
	s8 =	sadd.s32 $0x6480, s28;
	v10 =	vld.idx.msk [tilespmem:v10+s7+$0x0], $0xffff;
	[tilespmem:s1+$0x2400] =	vst v4  }
0x82: {  	v14 =	vadd.s32 $0x880, v1;
	s9 =	sor.u32 s26, s8;
	v5 =	vld.idx.msk [tilespmem:v5+s7+$0x0], $0xffff;
	v3 =	vshll.u32 v11, $0x3  }
0x83: {  	v4 =	vand.u32 $0x7F, v11;
	[tilespmem:s9+$0x0] =	vst v6;
	v3 =	vand.u32 $0xFFFFFC00, v3;
	v6 =	vadd.s32 $0x880, v0  }
0x84: {  	s11 =	sadd.s32 $0x4400, s18;
	s1 =	sor.u32 s25, s8;
	v11 =	vshll.u32 v12, $0x3;
	v8 =	vld.idx.msk [tilespmem:v8+s7+$0x0], $0xffff;
	v3 =	vor.u32 v4, v3  }
0x85: {  	s12 =	sor.u32 s17, s11;
	v11 =	vand.u32 $0xFFFFFC00, v11;
	v4 =	vand.u32 $0x7F, v12;
	[tilespmem:s1+$0x0] =	vst v9;
	v9 =	vadd.s32 $0x1180, v7  }
0x86: {  	s13 =	sor.u32 s16, s11;
	[tilespmem:s12+$0x0] =	vst v10;
	v4 =	vor.u32 v4, v11;
	v10 =	vld.idx.msk [tilespmem:v13+s7+$0x0], $0xffff  }
0x87: {  	s21 =	sadd.s32 $0x6500, s28;
	v11 =	vld.idx.msk [tilespmem:v14+s7+$0x0], $0xffff;
	[tilespmem:s13+$0x0] =	vst v5;
	v5 =	vadd.s32 $0x1180, v2  }
0x88: {  	s22 =	sor.u32 s26, s21;
	v12 =	vadd.s32 $0x900, v1;
	v6 =	vld.idx.msk [tilespmem:v6+s7+$0x0], $0xffff  }
0x89: {  	v13 =	vld.idx.msk [tilespmem:v3+s7+$0x0], $0xffff;
	[tilespmem:s22+$0x0] =	vst v8;
	v8 =	vadd.s32 $0x900, v0  }
0x8a: {  	s24 =	sadd.s32 $0x4480, s18;
	s23 =	sor.u32 s25, s21;
	v14 =	vor.u32 $0x80, v3;
	s1 =	simm.s32 $0x200;
	v9 =	vld.idx.msk [tilespmem:v9+s7+$0x0], $0xffff  }
0x8b: {  	s5 =	sor.u32 s17, s24;
	s21 =	sand.u32 $0x1C00, s1;
	v15 =	vld.idx.msk [tilespmem:v4+s7+$0x0], $0xffff;
	[tilespmem:s23+$0x0] =	vst v10;
	v10 =	vadd.s32 $0x1200, v7  }
0x8c: {  	s4 =	sor.u32 s16, s24;
	s9 =	sadd.s32 $0x2400, s21;
	[tilespmem:s5+$0x0] =	vst v11;
	v11 =	vor.u32 $0x80, v4;
	v5 =	vld.idx.msk [tilespmem:v5+s7+$0x0], $0xffff  }
0x8d: {  	s11 =	sadd.s32 $0x6580, s28;
	s8 =	sor.u32 s20, s9;
	v12 =	vld.idx.msk [tilespmem:v12+s7+$0x0], $0xffff;
	[tilespmem:s4+$0x0] =	vst v6;
	v6 =	vadd.s32 $0x1200, v2  }
0x8e: {  	s12 =	sor.u32 s26, s11;
	[tilespmem:s8+$0x0] =	vst v13;
	v8 =	vld.idx.msk [tilespmem:v8+s7+$0x0], $0xffff;
	v13 =	vadd.s32 $0x980, v1  }
0x8f: {  	s2 =	sor.u32 s19, s9;
	v14 =	vld.idx.msk [tilespmem:v14+s7+$0x0], $0xffff;
	[tilespmem:s12+$0x0] =	vst v9;
	v9 =	vadd.s32 $0x980, v0  }
0x90: {  	s13 =	sadd.s32 $0x4500, s18;
	s4 =	sor.u32 s25, s11;
	[tilespmem:s2+$0x0] =	vst v15;
	v15 =	vor.u32 $0x100, v3;
	v10 =	vld.idx.msk [tilespmem:v10+s7+$0x0], $0xffff  }
0x91: {  	s22 =	sor.u32 s17, s13;
	v11 =	vld.idx.msk [tilespmem:v11+s7+$0x0], $0xffff;
	[tilespmem:s4+$0x0] =	vst v5;
	v5 =	vadd.s32 $0x1280, v7  }
0x92: {  	s23 =	sor.u32 s16, s13;
	[tilespmem:s22+$0x0] =	vst v12;
	v12 =	vor.u32 $0x100, v4;
	v6 =	vld.idx.msk [tilespmem:v6+s7+$0x0], $0xffff  }
0x93: {  	s24 =	sadd.s32 $0x6600, s28;
	v13 =	vld.idx.msk [tilespmem:v13+s7+$0x0], $0xffff;
	[tilespmem:s23+$0x0] =	vst v8;
	v8 =	vadd.s32 $0x1280, v2  }
0x94: {  	s5 =	sor.u32 s26, s24;
	[tilespmem:s8+$0x80] =	vst v14;
	v9 =	vld.idx.msk [tilespmem:v9+s7+$0x0], $0xffff;
	v14 =	vadd.s32 $0xA00, v1  }
0x95: {  	v15 =	vld.idx.msk [tilespmem:v15+s7+$0x0], $0xffff;
	[tilespmem:s5+$0x0] =	vst v10;
	v10 =	vadd.s32 $0xA00, v0  }
0x96: {  	s11 =	sadd.s32 $0x4580, s18;
	s4 =	sor.u32 s25, s24;
	[tilespmem:s2+$0x80] =	vst v11;
	v11 =	vor.u32 $0x180, v3;
	v5 =	vld.idx.msk [tilespmem:v5+s7+$0x0], $0xffff  }
0x97: {  	s12 =	sor.u32 s17, s11;
	v12 =	vld.idx.msk [tilespmem:v12+s7+$0x0], $0xffff;
	[tilespmem:s4+$0x0] =	vst v6;
	v6 =	vadd.s32 $0x1300, v7  }
0x98: {  	s13 =	sor.u32 s16, s11;
	[tilespmem:s12+$0x0] =	vst v13;
	v8 =	vld.idx.msk [tilespmem:v8+s7+$0x0], $0xffff;
	v13 =	vor.u32 $0x180, v4  }
0x99: {  	s22 =	sadd.s32 $0x6680, s28;
	v14 =	vld.idx.msk [tilespmem:v14+s7+$0x0], $0xffff;
	[tilespmem:s13+$0x0] =	vst v9;
	v9 =	vadd.s32 $0x1300, v2  }
0x9a: {  	s23 =	sor.u32 s26, s22;
	[tilespmem:s8+$0x100] =	vst v15;
	v10 =	vld.idx.msk [tilespmem:v10+s7+$0x0], $0xffff  }
0x9b: {  	v15 =	vadd.s32 $0xA80, v1;
	v11 =	vld.idx.msk [tilespmem:v11+s7+$0x0], $0xffff;
	[tilespmem:s23+$0x0] =	vst v5  }
0x9c: {  	s4 =	sor.u32 s25, s22;
	[tilespmem:s2+$0x100] =	vst v12;
	v5 =	vadd.s32 $0xA80, v0;
	v6 =	vld.idx.msk [tilespmem:v6+s7+$0x0], $0xffff  }
0x9d: {  	s24 =	sadd.s32 $0x4600, s18;
	v12 =	vld.idx.msk [tilespmem:v13+s7+$0x0], $0xffff;
	v13 =	vor.u32 $0x200, v3;
	[tilespmem:s4+$0x0] =	vst v8  }
0x9e: {  	s5 =	sor.u32 s17, s24;
	s13 =	simm.s32 $0x60;
	v8 =	vld.idx.msk [tilespmem:v9+s7+$0x0], $0xffff;
	v9 =	vadd.s32 $0x1380, v7  }
0x9f: {  	s12 =	sor.u32 s16, s24;
	v16 =	vld [tilespmem:s13+$0x0];
	[tilespmem:s5+$0x0] =	vst v14;
	v14 =	vor.u32 $0x200, v4  }
0xa0: {  	s22 =	sadd.s32 $0x6700, s28;
	v15 =	vld.idx.msk [tilespmem:v15+s7+$0x0], $0xffff;
	[tilespmem:s12+$0x0] =	vst v10;
	v10 =	vadd.s32 $0x1380, v2  }
0xa1: {  	s23 =	sor.u32 s26, s22;
	[tilespmem:s8+$0x180] =	vst v11;
	v5 =	vld.idx.msk [tilespmem:v5+s7+$0x0], $0xffff;
	v11 =	vadd.s32 $0xB00, v1  }
0xa2: {  	[tilespmem:s23+$0x0] =	vst v6;
	v6 =	vadd.s32 $0xB00, v0;
	v13 =	vld.idx.msk [tilespmem:v13+s7+$0x0], $0xffff  }
0xa3: {  	s24 =	sadd.s32 $0x4680, s18;
	s4 =	sor.u32 s25, s22;
	[tilespmem:s2+$0x180] =	vst v12;
	v12 =	vor.u32 $0x280, v3;
	v9 =	vld.idx.msk [tilespmem:v9+s7+$0x0], $0xffff  }
0xa4: {  	s5 =	sor.u32 s17, s24;
	v14 =	vld.idx.msk [tilespmem:v14+s7+$0x0], $0xffff;
	[tilespmem:s4+$0x0] =	vst v8;
	v8 =	vadd.s32 $0x1800, v7  }
0xa5: {  	s9 =	sor.u32 s16, s24;
	[tilespmem:s5+$0x0] =	vst v15;
	v10 =	vld.idx.msk [tilespmem:v10+s7+$0x0], $0xffff;
	v15 =	vor.u32 $0x280, v4  }
0xa6: {  	s11 =	sadd.s32 $0x6780, s28;
	v11 =	vld.idx.msk [tilespmem:v11+s7+$0x0], $0xffff;
	[tilespmem:s9+$0x0] =	vst v5;
	v5 =	vadd.s32 $0x1800, v2  }
0xa7: {  	s12 =	sor.u32 s26, s11;
	v6 =	vld.idx.msk [tilespmem:v6+s7+$0x0], $0xffff;
	[tilespmem:s8+$0x200] =	vst v13;
	v13 =	vadd.s32 $0xB80, v1  }
0xa8: {  	v12 =	vld.idx.msk [tilespmem:v12+s7+$0x0], $0xffff;
	[tilespmem:s12+$0x0] =	vst v9;
	v9 =	vadd.s32 $0xB80, v0  }
0xa9: {  	s13 =	sadd.s32 $0x4700, s18;
	s4 =	sor.u32 s25, s11;
	[tilespmem:s2+$0x200] =	vst v14;
	v14 =	vor.u32 $0x300, v3;
	v8 =	vld.idx.msk [tilespmem:v8+s7+$0x0], $0xffff  }
0xaa: {  	s22 =	sor.u32 s17, s13;
	v15 =	vld.idx.msk [tilespmem:v15+s7+$0x0], $0xffff;
	[tilespmem:s4+$0x0] =	vst v10;
	v10 =	vadd.s32 $0x1880, v7  }
0xab: {  	s23 =	sor.u32 s16, s13;
	[tilespmem:s22+$0x0] =	vst v11;
	v5 =	vld.idx.msk [tilespmem:v5+s7+$0x0], $0xffff;
	v11 =	vor.u32 $0x300, v4  }
0xac: {  	s24 =	sadd.s32 $0x8400, s28;
	[tilespmem:s23+$0x0] =	vst v6;
	v6 =	vadd.s32 $0x1880, v2;
	v13 =	vld.idx.msk [tilespmem:v13+s7+$0x0], $0xffff  }
0xad: {  	s29 =	simm.s32 $0x2;
	s5 =	sor.u32 s26, s24;
	[tilespmem:s8+$0x280] =	vst v12;
	v9 =	vld.idx.msk [tilespmem:v9+s7+$0x0], $0xffff;
	v12 =	vadd.s32 $0x1000, v1  }
0xae: {  	s9 =	sand.u32 $0x3, s29;
	v14 =	vld.idx.msk [tilespmem:v14+s7+$0x0], $0xffff;
	[tilespmem:s5+$0x0] =	vst v8;
	v8 =	vadd.s32 $0x1000, v0  }
0xaf: {  	s11 =	sadd.s32 $0x4780, s18;
	s4 =	sor.u32 s25, s24;
	s8 =	sshll.u32 s9, $0x5;
	[tilespmem:s2+$0x280] =	vst v15;
	v15 =	vor.u32 $0x380, v3;
	v10 =	vld.idx.msk [tilespmem:v10+s7+$0x0], $0xffff  }
0xb0: {  	s12 =	sor.u32 s17, s11;
	s13 =	sadd.s32 $0x200, s8;
	v11 =	vld.idx.msk [tilespmem:v11+s7+$0x0], $0xffff;
	[tilespmem:s4+$0x0] =	vst v5;
	v5 =	vadd.s32 $0x1900, v7  }
0xb1: {  	s2 =	sor.u32 s16, s11;
	s8 =	sadd.s32 $0x10, s13;
	v6 =	vld.idx.msk [tilespmem:v6+s7+$0x0], $0xffff;
	[tilespmem:s12+$0x0] =	vst v13;
	v13 =	vor.u32 $0x380, v4  }
0xb2: {  	s23 =	sadd.s32 $0x8480, s28;
	s22 =	sor.u32 $0x300, s8;
	v12 =	vld.idx.msk [tilespmem:v12+s7+$0x0], $0xffff;
	[tilespmem:s2+$0x0] =	vst v9  }
0xb3: {  	s30 =	simm.s32 $0x60;
	s24 =	sor.u32 s26, s23;
	v9 =	vadd.s32 $0x1900, v2;
	[tilespmem:s22+$0x2400] =	vst v14;
	v8 =	vld.idx.msk [tilespmem:v8+s7+$0x0], $0xffff  }
0xb4: {  	s5 =	sadd.s32 $0x6400, s18;
	s4 =	sor.u32 $0x300, s13;
	v14 =	vadd.s32 $0x1080, v1;
	s22 =	sand.u32 $0x60, s30;
	v15 =	vld.idx.msk [tilespmem:v15+s7+$0x0], $0xffff;
	[tilespmem:s24+$0x0] =	vst v10  }
0xb5: {  	s12 =	sand.u32 $0x380, s30;
	s2 =	sor.u32 s25, s23;
	[tilespmem:s4+$0x2400] =	vst v11;
	v10 =	vadd.s32 $0x1080, v0;
	s23 =	sor.u32 $0x10, s22;
	v5 =	vld.idx.msk [tilespmem:v5+s7+$0x0], $0xffff  }
0xb6: {  	s11 =	sor.u32 s17, s5;
	[tilespmem:s2+$0x0] =	vst v6;
	s2 =	sor.u32 s23, s12;
	v11 =	vld.idx.msk [tilespmem:v13+s7+$0x0], $0xffff;
	v13 =	vadd.s32 $0x800, v3  }
0xb7: {  	v6 =	vshll.u32 v16, $0x3;
	v18 =	vld [tilespmem:s2+$0x0];
	[tilespmem:s11+$0x0] =	vst v12;
	v12 =	vadd.s32 $0x1980, v7  }
0xb8: {  	v17 =	vadd.s32 $0x800, v4;
	s4 =	sor.u32 s16, s5;
	v16 =	vand.u32 $0x7F, v16;
	v6 =	vand.u32 $0xFFFFFC00, v6;
	v9 =	vld.idx.msk [tilespmem:v9+s7+$0x0], $0xffff  }
0xb9: {  	s13 =	sor.u32 $0x380, s8;
	s24 =	sadd.s32 $0x8500, s28;
	v6 =	vor.u32 v16, v6;
	v14 =	vld.idx.msk [tilespmem:v14+s7+$0x0], $0xffff;
	[tilespmem:s4+$0x0] =	vst v8  }
0xba: {  	s0 =	sor.u32 s1, s0;
	s5 =	sor.u32 s26, s24;
	v8 =	vadd.s32 $0x1980, v2;
	[tilespmem:s13+$0x2400] =	vst v15;
	v10 =	vld.idx.msk [tilespmem:v10+s7+$0x0], $0xffff  }
0xbb: {  	s0 =	sor.u32 $0x380, s0;
	v15 =	vadd.s32 $0x1100, v1;
	[tilespmem:s5+$0x0] =	vst v5;
	v13 =	vld.idx.msk [tilespmem:v13+s7+$0x0], $0xffff  }
0xbc: {  	[tilespmem:s0+$0x2400] =	vst v11;
	v11 =	vadd.s32 $0x1100, v0;
	v12 =	vld.idx.msk [tilespmem:v12+s7+$0x0], $0xffff  }
0xbd: {  	s9 =	sadd.s32 $0x6480, s18;
	s8 =	sor.u32 s25, s24;
	v16 =	vld.idx.msk [tilespmem:v17+s7+$0x0], $0xffff;
	v17 =	vadd.s32 $0x880, v3  }
0xbe: {  	s11 =	sor.u32 s17, s9;
	v5 =	vshll.u32 v18, $0x3;
	[tilespmem:s8+$0x0] =	vst v9;
	v9 =	vadd.s32 $0x1A00, v7;
	v19 =	vld.idx.msk [tilespmem:v6+s7+$0x0], $0xffff  }
0xbf: {  	s12 =	sadd.s32 $0x4400, s21;
	s0 =	sor.u32 s16, s9;
	v5 =	vand.u32 $0xFFFFFC00, v5;
	[tilespmem:s11+$0x0] =	vst v14;
	v8 =	vld.idx.msk [tilespmem:v8+s7+$0x0], $0xffff;
	v14 =	vand.u32 $0x7F, v18;
	v18 =	vadd.s32 $0x880, v4  }
0xc0: {  	s24 =	sadd.s32 $0x8580, s28;
	s13 =	sor.u32 s20, s12;
	v15 =	vld.idx.msk [tilespmem:v15+s7+$0x0], $0xffff;
	v5 =	vor.u32 v14, v5;
	[tilespmem:s0+$0x0] =	vst v10  }
0xc1: {  	s4 =	sor.u32 s26, s24;
	v14 =	vadd.s32 $0x1A00, v2;
	[tilespmem:s13+$0x0] =	vst v13;
	v10 =	vld.idx.msk [tilespmem:v11+s7+$0x0], $0xffff  }
0xc2: {  	s1 =	sor.u32 s19, s12;
	v11 =	vadd.s32 $0x1180, v1;
	v13 =	vld.idx.msk [tilespmem:v17+s7+$0x0], $0xffff;
	[tilespmem:s4+$0x0] =	vst v12  }
0xc3: {  	s5 =	sadd.s32 $0x6500, s18;
	s0 =	sor.u32 s25, s24;
	[tilespmem:s1+$0x0] =	vst v16;
	v12 =	vadd.s32 $0x1180, v0;
	v9 =	vld.idx.msk [tilespmem:v9+s7+$0x0], $0xffff  }
0xc4: {  	s8 =	sor.u32 s17, s5;
	v17 =	vadd.s32 $0x900, v3;
	v16 =	vld.idx.msk [tilespmem:v18+s7+$0x0], $0xffff;
	[tilespmem:s0+$0x0] =	vst v8  }
0xc5: {  	s9 =	sadd.s32 $0x4480, s21;
	s1 =	sor.u32 s16, s5;
	v18 =	vld.idx.msk [tilespmem:v5+s7+$0x0], $0xffff;
	[tilespmem:s8+$0x0] =	vst v15;
	v15 =	vadd.s32 $0x1A80, v7  }
0xc6: {  	s31 =	simm.s32 $0x300;
	v20 =	vadd.s32 $0x900, v4;
	s11 =	sor.u32 s20, s9;
	s0 =	sadd.s32 $0x8600, s28;
	v8 =	vld.idx.msk [tilespmem:v14+s7+$0x0], $0xffff;
	[tilespmem:s1+$0x0] =	vst v10  }
0xc7: {  	s24 =	sand.u32 $0x1C00, s31;
	v21 =	vor.u32 $0x80, v5;
	s12 =	sor.u32 s26, s0;
	v11 =	vld.idx.msk [tilespmem:v11+s7+$0x0], $0xffff;
	[tilespmem:s11+$0x0] =	vst v13  }
0xc8: {  	s2 =	sor.u32 s19, s9;
	s13 =	sadd.s32 $0x2400, s24;
	v10 =	vld.idx.msk [tilespmem:v12+s7+$0x0], $0xffff;
	v12 =	vadd.s32 $0x1200, v1;
	[tilespmem:s12+$0x0] =	vst v9  }
0xc9: {  	v13 =	vor.u32 $0x80, v6;
	s11 =	sor.u32 s22, s13;
	v14 =	vld.idx.msk [tilespmem:v17+s7+$0x0], $0xffff;
	[tilespmem:s2+$0x0] =	vst v16  }
0xca: {  	s5 =	sadd.s32 $0x6580, s18;
	s12 =	sor.u32 s23, s13;
	v9 =	vadd.s32 $0x1200, v0;
	[tilespmem:s11+$0x0] =	vst v19;
	v15 =	vld.idx.msk [tilespmem:v15+s7+$0x0], $0xffff  }
0xcb: {  	s8 =	sor.u32 s17, s5;
	v17 =	vadd.s32 $0x980, v3;
	[tilespmem:s12+$0x0] =	vst v18;
	v16 =	vld.idx.msk [tilespmem:v20+s7+$0x0], $0xffff  }
0xcc: {  	v19 =	vadd.s32 $0x980, v4;
	v18 =	vld.idx.msk [tilespmem:v21+s7+$0x0], $0xffff;
	[tilespmem:s8+$0x0] =	vst v11  }
0xcd: {  	s9 =	sadd.s32 $0x4500, s21;
	s1 =	sor.u32 s16, s5;
	v11 =	vadd.s32 $0x1B00, v7;
	v12 =	vld.idx.msk [tilespmem:v12+s7+$0x0], $0xffff  }
0xce: {  	s13 =	sor.u32 s20, s9;
	v20 =	vor.u32 $0x100, v5;
	v13 =	vld.idx.msk [tilespmem:v13+s7+$0x0], $0xffff;
	[tilespmem:s1+$0x0] =	vst v10  }
0xcf: {  	s2 =	sor.u32 s19, s9;
	s8 =	sadd.s32 $0x8680, s28;
	v10 =	vadd.s32 $0x1280, v1;
	[tilespmem:s13+$0x0] =	vst v14;
	v9 =	vld.idx.msk [tilespmem:v9+s7+$0x0], $0xffff  }
0xd0: {  	s4 =	sor.u32 s26, s8;
	v14 =	vor.u32 $0x100, v6;
	v17 =	vld.idx.msk [tilespmem:v17+s7+$0x0], $0xffff;
	[tilespmem:s2+$0x0] =	vst v16  }
0xd1: {  	s5 =	sadd.s32 $0x6600, s18;
	[tilespmem:s4+$0x0] =	vst v15;
	v15 =	vadd.s32 $0x1280, v0;
	v16 =	vld.idx.msk [tilespmem:v19+s7+$0x0], $0xffff  }
0xd2: {  	s9 =	sor.u32 s17, s5;
	[tilespmem:s12+$0x80] =	vst v18;
	v18 =	vadd.s32 $0xA00, v3;
	v11 =	vld.idx.msk [tilespmem:v11+s7+$0x0], $0xffff  }
0xd3: {  	v7 =	vadd.s32 $0x1B80, v7;
	v19 =	vld.idx.msk [tilespmem:v20+s7+$0x0], $0xffff;
	[tilespmem:s9+$0x0] =	vst v12  }
0xd4: {  	s1 =	sor.u32 s16, s5;
	s2 =	sadd.s32 $0x4580, s21;
	[tilespmem:s11+$0x80] =	vst v13;
	v12 =	vadd.s32 $0xA00, v4;
	v10 =	vld.idx.msk [tilespmem:v10+s7+$0x0], $0xffff  }
0xd5: {  	s13 =	sor.u32 s20, s2;
	s9 =	sadd.s32 $0x8700, s28;
	v13 =	vld.idx.msk [tilespmem:v14+s7+$0x0], $0xffff;
	v14 =	vor.u32 $0x180, v5;
	[tilespmem:s1+$0x0] =	vst v9  }
0xd6: {  	s5 =	sor.u32 s26, s9;
	[tilespmem:s13+$0x0] =	vst v17;
	v9 =	vld.idx.msk [tilespmem:v15+s7+$0x0], $0xffff;
	v17 =	vadd.s32 $0x1300, v1  }
0xd7: {  	s2 =	sor.u32 s19, s2;
	v20 =	vor.u32 $0x180, v6;
	v18 =	vld.idx.msk [tilespmem:v18+s7+$0x0], $0xffff;
	[tilespmem:s5+$0x0] =	vst v11  }
0xd8: {  	s13 =	sadd.s32 $0x6680, s18;
	[tilespmem:s2+$0x0] =	vst v16;
	v11 =	vadd.s32 $0x1300, v0;
	v63 =	vld.idx.msk [tilespmem:v7+s7+$0x0], $0xffff  }
0xd9: {  	[tilespmem:s12+$0x100] =	vst v19;
	v19 =	vadd.s32 $0xA80, v3;
	s5 =	sor.u32 s17, s13;
	v12 =	vld.idx.msk [tilespmem:v12+s7+$0x0], $0xffff  }
0xda: {  	s1 =	sor.u32 s25, s0;
	v15 =	vld.idx.msk [tilespmem:v14+s7+$0x0], $0xffff;
	[tilespmem:s5+$0x0] =	vst v10  }
0xdb: {  	s0 =	sor.u32 s25, s9;
	s4 =	sor.u32 s16, s13;
	s13 =	sadd.s32 $0x4600, s21;
	[tilespmem:s11+$0x100] =	vst v13;
	v14 =	vadd.s32 $0xA80, v4;
	v7 =	vld.idx.msk [tilespmem:v17+s7+$0x0], $0xffff  }
0xdc: {  	s9 =	sadd.s32 $0x8780, s28;
	s2 =	sor.u32 s25, s8;
	s8 =	sor.u32 s20, s13;
	v16 =	vld.idx.msk [tilespmem:v20+s7+$0x0], $0xffff;
	[tilespmem:s4+$0x0] =	vst v9;
	v17 =	vor.u32 $0x200, v5  }
0xdd: {  	s28 =	sor.u32 s31, s30;
	s26 =	sor.u32 s26, s9;
	s25 =	sor.u32 s25, s9;
	v10 =	vadd.s32 $0x1380, v1;
	[tilespmem:s8+$0x0] =	vst v18;
	v9 =	vld.idx.msk [tilespmem:v11+s7+$0x0], $0xffff  }
0xde: {  	s4 =	sor.u32 s19, s13;
	s8 =	sor.u32 $0x380, s28;
	v18 =	vor.u32 $0x200, v6;
	v13 =	vld.idx.msk [tilespmem:v19+s7+$0x0], $0xffff;
	[tilespmem:s26+$0x0] =	vst v63;
	s26 =	simm.s32 $0x80  }
.LBB2_2:
0xdf: {  	v11 =	vld [tilespmem:s26+$0x0];
	[tilespmem:s4+$0x0] =	vst v12;
	s4 =	sadd.s32 $0x6700, s18;
	v12 =	vadd.s32 $0x1380, v0;
	s28 =	smov.u32 s17;
	s17 =	smov.u32 s20  }
0xe0: {  	s20 =	smov.u32 s23;
	[tilespmem:s12+$0x180] =	vst v15;
	v14 =	vld.idx.msk [tilespmem:v14+s7+$0x0], $0xffff;
	v15 =	vadd.s32 $0xB00, v3;
	s13 =	sor.u32 s16, s4;
	s4 =	sor.u32 s28, s4  }
0xe1: {  	s9 =	smov.u32 s18;
	s18 =	smov.u32 s21;
	s21 =	smov.u32 s24;
	v17 =	vld.idx.msk [tilespmem:v17+s7+$0x0], $0xffff;
	[tilespmem:s4+$0x0] =	vst v7;
	v7 =	vadd.s32 $0x1A80, v2  }
0xe2: {  	s4 =	sadd.s32 $0x4680, s18;
	[tilespmem:s11+$0x180] =	vst v16;
	v16 =	vadd.s32 $0xB00, v4;
	v10 =	vld.idx.msk [tilespmem:v10+s7+$0x0], $0xffff  }
0xe3: {  	v19 =	vor.u32 $0x280, v5;
	s23 =	sor.u32 s19, s4;
	s4 =	sor.u32 s17, s4;
	v18 =	vld.idx.msk [tilespmem:v18+s7+$0x0], $0xffff;
	[tilespmem:s13+$0x0] =	vst v9  }
0xe4: {  	[tilespmem:s4+$0x0] =	vst v13;
	v9 =	vld.idx.msk [tilespmem:v12+s7+$0x0], $0xffff;
	v12 =	vadd.s32 $0x1800, v1  }
0xe5: {  	v13 =	vor.u32 $0x280, v6;
	v15 =	vld.idx.msk [tilespmem:v15+s7+$0x0], $0xffff;
	[tilespmem:s1+$0x0] =	vst v8  }
0xe6: {  	s1 =	sadd.s32 $0x6780, s9;
	v8 =	vadd.s32 $0x1800, v0;
	[tilespmem:s23+$0x0] =	vst v14;
	v7 =	vld.idx.msk [tilespmem:v7+s7+$0x0], $0xffff  }
0xe7: {  	s4 =	sor.u32 s16, s1;
	s1 =	sor.u32 s28, s1;
	[tilespmem:s12+$0x200] =	vst v17;
	v14 =	vld.idx.msk [tilespmem:v16+s7+$0x0], $0xffff;
	v16 =	vadd.s32 $0xB80, v3  }
0xe8: {  	v17 =	vld.idx.msk [tilespmem:v19+s7+$0x0], $0xffff;
	[tilespmem:s1+$0x0] =	vst v10;
	v10 =	vadd.s32 $0x1B00, v2  }
0xe9: {  	s1 =	sadd.s32 $0x4700, s18;
	[tilespmem:s11+$0x200] =	vst v18;
	v18 =	vadd.s32 $0xB80, v4;
	v12 =	vld.idx.msk [tilespmem:v12+s7+$0x0], $0xffff  }
0xea: {  	v19 =	vor.u32 $0x300, v5;
	s13 =	sor.u32 s19, s1;
	s1 =	sor.u32 s17, s1;
	v13 =	vld.idx.msk [tilespmem:v13+s7+$0x0], $0xffff;
	[tilespmem:s4+$0x0] =	vst v9  }
0xeb: {  	v9 =	vadd.s32 $0x1880, v1;
	[tilespmem:s1+$0x0] =	vst v15;
	v8 =	vld.idx.msk [tilespmem:v8+s7+$0x0], $0xffff  }
0xec: {  	v15 =	vor.u32 $0x300, v6;
	v16 =	vld.idx.msk [tilespmem:v16+s7+$0x0], $0xffff;
	[tilespmem:s2+$0x0] =	vst v7  }
0xed: {  	s1 =	sadd.s32 $0x8400, s9;
	v7 =	vadd.s32 $0x1880, v0;
	[tilespmem:s13+$0x0] =	vst v14;
	v10 =	vld.idx.msk [tilespmem:v10+s7+$0x0], $0xffff  }
0xee: {  	s2 =	sor.u32 s16, s1;
	s1 =	sor.u32 s28, s1;
	[tilespmem:s12+$0x280] =	vst v17;
	v14 =	vld.idx.msk [tilespmem:v18+s7+$0x0], $0xffff;
	v17 =	vadd.s32 $0x1000, v3  }
0xef: {  	s29 =	sadd.s32 $0x1, s29;
	v18 =	vld.idx.msk [tilespmem:v19+s7+$0x0], $0xffff;
	[tilespmem:s1+$0x0] =	vst v12;
	v12 =	vadd.s32 $0x1B80, v2;
	v2 =	vmovc v0;
	v0 =	vmov v4;
	v4 =	vmov v6  }
0xf0: {  	s4 =	sadd.s32 $0x4780, s18;
	s1 =	sand.u32 $0x3, s29;
	[tilespmem:s11+$0x280] =	vst v13;
	v6 =	vadd.s32 $0x1000, v0;
	v9 =	vld.idx.msk [tilespmem:v9+s7+$0x0], $0xffff  }
0xf1: {  	s1 =	sshll.u32 s1, $0x5;
	s11 =	sor.u32 s19, s4;
	s4 =	sor.u32 s17, s4;
	v13 =	vld.idx.msk [tilespmem:v15+s7+$0x0], $0xffff;
	v15 =	vor.u32 $0x380, v5;
	[tilespmem:s2+$0x0] =	vst v8  }
0xf2: {  	s1 =	sadd.s32 s1, s31;
	v8 =	vadd.s32 $0x1900, v1;
	[tilespmem:s4+$0x0] =	vst v16;
	v7 =	vld.idx.msk [tilespmem:v7+s7+$0x0], $0xffff  }
0xf3: {  	s2 =	sor.u32 $0x300, s1;
	v16 =	vor.u32 $0x380, v4;
	s1 =	sadd.s32 $0x10, s1;
	v17 =	vld.idx.msk [tilespmem:v17+s7+$0x0], $0xffff;
	[tilespmem:s0+$0x0] =	vst v10  }
0xf4: {  	s4 =	sadd.s32 $0x8480, s9;
	s0 =	sor.u32 $0x300, s1;
	v10 =	vadd.s32 $0x1900, v2;
	[tilespmem:s11+$0x0] =	vst v14;
	v12 =	vld.idx.msk [tilespmem:v12+s7+$0x0], $0xffff  }
0xf5: {  	v14 =	vadd.s32 $0x1080, v3;
	[tilespmem:s0+$0x2400] =	vst v18;
	v6 =	vld.idx.msk [tilespmem:v6+s7+$0x0], $0xffff;
	s0 =	sor.u32 s16, s4;
	s4 =	sor.u32 s28, s4  }
0xf6: {  	v15 =	vld.idx.msk [tilespmem:v15+s7+$0x0], $0xffff;
	[tilespmem:s4+$0x0] =	vst v9  }
0xf7: {  	s30 =	sadd.s32 $0x20, s30;
	v9 =	vadd.s32 $0x1080, v0;
	[tilespmem:s2+$0x2400] =	vst v13;
	s2 =	sadd.s32 $0x6400, s18;
	v8 =	vld.idx.msk [tilespmem:v8+s7+$0x0], $0xffff  }
0xf8: {  	s13 =	sand.u32 $0x60, s30;
	v13 =	vld.idx.msk [tilespmem:v16+s7+$0x0], $0xffff;
	v16 =	vadd.s32 $0x800, v5;
	s4 =	sor.u32 s19, s2;
	s2 =	sor.u32 s17, s2;
	[tilespmem:s0+$0x0] =	vst v7  }
0xf9: {  	p0 =	slt.u32 s30, $0x3E0;
	s23 =	sor.u32 $0x10, s13;
	s0 =	sand.u32 $0x380, s30;
	[tilespmem:s2+$0x0] =	vst v17;
	v7 =	vld.idx.msk [tilespmem:v10+s7+$0x0], $0xffff;
	v10 =	vadd.s32 $0x1980, v1  }
0xfa: {  	s0 =	sor.u32 s23, s0;
	v17 =	vadd.s32 $0x800, v4;
	v14 =	vld.idx.msk [tilespmem:v14+s7+$0x0], $0xffff;
	[tilespmem:s25+$0x0] =	vst v12  }
0xfb: {  	v19 =	vadd.s32 $0x1980, v2;
	v12 =	vshll.u32 v11, $0x3;
	v18 =	vld [tilespmem:s0+$0x0];
	s0 =	sor.u32 $0x380, s1;
	[tilespmem:s4+$0x0] =	vst v6;
	s1 =	sadd.s32 $0x8500, s9  }
0xfc: {  	v6 =	vand.u32 $0x7F, v11;
	v11 =	vand.u32 $0xFFFFFC00, v12;
	v12 =	vadd.s32 $0x1100, v3;
	[tilespmem:s0+$0x2400] =	vst v15;
	v9 =	vld.idx.msk [tilespmem:v9+s7+$0x0], $0xffff;
	s0 =	sor.u32 s16, s1;
	s1 =	sor.u32 s28, s1  }
0xfd: {  	v6 =	vor.u32 v6, v11;
	v11 =	vld.idx.msk [tilespmem:v16+s7+$0x0], $0xffff;
	[tilespmem:s1+$0x0] =	vst v8  }
0xfe: {  	s1 =	sadd.s32 $0x6480, s18;
	v8 =	vadd.s32 $0x1100, v0;
	[tilespmem:s8+$0x2400] =	vst v13;
	v10 =	vld.idx.msk [tilespmem:v10+s7+$0x0], $0xffff  }
0xff: {  	v15 =	vadd.s32 $0x880, v5;
	s2 =	sor.u32 s19, s1;
	s1 =	sor.u32 s17, s1;
	v13 =	vld.idx.msk [tilespmem:v17+s7+$0x0], $0xffff;
	[tilespmem:s0+$0x0] =	vst v7  }
0x100: {  	v16 =	vadd.s32 $0x1A00, v1;
	v7 =	vshll.u32 v18, $0x3;
	[tilespmem:s1+$0x0] =	vst v14;
	v14 =	vld.idx.msk [tilespmem:v19+s7+$0x0], $0xffff  }
0x101: {  	s0 =	sadd.s32 $0x4400, s21;
	v17 =	vand.u32 $0x7F, v18;
	v18 =	vadd.s32 $0x880, v4;
	v7 =	vand.u32 $0xFFFFFC00, v7;
	v12 =	vld.idx.msk [tilespmem:v12+s7+$0x0], $0xffff  }
0x102: {  	s1 =	sor.u32 s22, s0;
	s0 =	sor.u32 s20, s0;
	v19 =	vld.idx.msk [tilespmem:v6+s7+$0x0], $0xffff;
	v7 =	vor.u32 v17, v7;
	[tilespmem:s2+$0x0] =	vst v9;
	s2 =	sadd.s32 $0x8580, s9  }
0x103: {  	v9 =	vadd.s32 $0x1180, v3;
	[tilespmem:s0+$0x0] =	vst v11;
	v8 =	vld.idx.msk [tilespmem:v8+s7+$0x0], $0xffff;
	s0 =	sor.u32 s16, s2;
	s2 =	sor.u32 s28, s2  }
0x104: {  	v11 =	vld.idx.msk [tilespmem:v15+s7+$0x0], $0xffff;
	v15 =	vadd.s32 $0x1A00, v2;
	[tilespmem:s2+$0x0] =	vst v10  }
0x105: {  	v10 =	vadd.s32 $0x1180, v0;
	[tilespmem:s1+$0x0] =	vst v13;
	s1 =	sadd.s32 $0x6500, s18;
	v13 =	vld.idx.msk [tilespmem:v16+s7+$0x0], $0xffff  }
0x106: {  	v17 =	vadd.s32 $0x900, v5;
	v16 =	vld.idx.msk [tilespmem:v18+s7+$0x0], $0xffff;
	s2 =	sor.u32 s19, s1;
	s1 =	sor.u32 s17, s1;
	[tilespmem:s0+$0x0] =	vst v14  }
0x107: {  	v14 =	vld.idx.msk [tilespmem:v7+s7+$0x0], $0xffff;
	[tilespmem:s1+$0x0] =	vst v12;
	v12 =	vadd.s32 $0x1A80, v1  }
0x108: {  	s0 =	sadd.s32 $0x4480, s21;
	v18 =	vadd.s32 $0x900, v4;
	v9 =	vld.idx.msk [tilespmem:v9+s7+$0x0], $0xffff  }
0x109: {  	s31 =	sadd.s32 $0x100, s31;
	v20 =	vor.u32 $0x80, v7;
	s1 =	sor.u32 s20, s0;
	[tilespmem:s2+$0x0] =	vst v8;
	v8 =	vld.idx.msk [tilespmem:v15+s7+$0x0], $0xffff;
	s2 =	sadd.s32 $0x8600, s9  }
0x10a: {  	s24 =	sand.u32 $0x1C00, s31;
	s4 =	sor.u32 s31, s30;
	[tilespmem:s1+$0x0] =	vst v11;
	v10 =	vld.idx.msk [tilespmem:v10+s7+$0x0], $0xffff;
	v11 =	vadd.s32 $0x1200, v3;
	s1 =	sor.u32 s28, s2  }
0x10b: {  	s12 =	sadd.s32 $0x2400, s24;
	s8 =	sor.u32 $0x380, s4;
	s0 =	sor.u32 s22, s0;
	v15 =	vor.u32 $0x80, v6;
	v17 =	vld.idx.msk [tilespmem:v17+s7+$0x0], $0xffff;
	[tilespmem:s1+$0x0] =	vst v13  }
0x10c: {  	s11 =	sor.u32 s13, s12;
	s12 =	sor.u32 s23, s12;
	v13 =	vadd.s32 $0x1200, v0;
	[tilespmem:s0+$0x0] =	vst v16;
	s0 =	sadd.s32 $0x6580, s18;
	v12 =	vld.idx.msk [tilespmem:v12+s7+$0x0], $0xffff  }
0x10d: {  	s1 =	sor.u32 s16, s2;
	v16 =	vadd.s32 $0x980, v5;
	[tilespmem:s12+$0x0] =	vst v14;
	v14 =	vld.idx.msk [tilespmem:v18+s7+$0x0], $0xffff;
	s4 =	sor.u32 s19, s0;
	s0 =	sor.u32 s17, s0  }
0x10e: {  	v18 =	vld.idx.msk [tilespmem:v20+s7+$0x0], $0xffff;
	[tilespmem:s0+$0x0] =	vst v9;
	v9 =	vadd.s32 $0x1B00, v1  }
0x10f: {  	s0 =	sadd.s32 $0x4500, s21;
	[tilespmem:s11+$0x0] =	vst v19;
	v19 =	vadd.s32 $0x980, v4;
	v11 =	vld.idx.msk [tilespmem:v11+s7+$0x0], $0xffff  }
0x110: {  	v20 =	vor.u32 $0x100, v7;
	s25 =	sor.u32 s22, s0;
	s0 =	sor.u32 s20, s0;
	v15 =	vld.idx.msk [tilespmem:v15+s7+$0x0], $0xffff;
	[tilespmem:s4+$0x0] =	vst v10;
	s4 =	sadd.s32 $0x8680, s9  }
0x111: {  	[tilespmem:s0+$0x0] =	vst v17;
	v10 =	vld.idx.msk [tilespmem:v13+s7+$0x0], $0xffff;
	v13 =	vadd.s32 $0x1280, v3;
	s2 =	sor.u32 s16, s4;
	s0 =	sor.u32 s28, s4  }
0x112: {  	v17 =	vor.u32 $0x100, v6;
	v16 =	vld.idx.msk [tilespmem:v16+s7+$0x0], $0xffff;
	[tilespmem:s0+$0x0] =	vst v12  }
0x113: {  	s0 =	sadd.s32 $0x6600, s18;
	v12 =	vadd.s32 $0x1280, v0;
	[tilespmem:s25+$0x0] =	vst v14;
	v9 =	vld.idx.msk [tilespmem:v9+s7+$0x0], $0xffff  }
0x114: {  	s4 =	sor.u32 s19, s0;
	s0 =	sor.u32 s17, s0;
	[tilespmem:s12+$0x80] =	vst v18;
	v14 =	vld.idx.msk [tilespmem:v19+s7+$0x0], $0xffff;
	v18 =	vadd.s32 $0xA00, v5  }
0x115: {  	v19 =	vld.idx.msk [tilespmem:v20+s7+$0x0], $0xffff;
	[tilespmem:s0+$0x0] =	vst v11;
	v11 =	vadd.s32 $0x1B80, v1;
	v1 =	vmovc v3;
	v3 =	vmov v5;
	v5 =	vmov v7  }
0x116: {  	s0 =	sadd.s32 $0x4580, s21;
	v7 =	vadd.s32 $0xA00, v4;
	[tilespmem:s11+$0x80] =	vst v15;
	v13 =	vld.idx.msk [tilespmem:v13+s7+$0x0], $0xffff  }
0x117: {  	v15 =	vor.u32 $0x180, v5;
	s25 =	sor.u32 s22, s0;
	s0 =	sor.u32 s20, s0;
	v17 =	vld.idx.msk [tilespmem:v17+s7+$0x0], $0xffff;
	[tilespmem:s4+$0x0] =	vst v10;
	s4 =	sadd.s32 $0x8700, s9  }
0x118: {  	[tilespmem:s0+$0x0] =	vst v16;
	v10 =	vld.idx.msk [tilespmem:v12+s7+$0x0], $0xffff;
	v16 =	vadd.s32 $0x1300, v1;
	s0 =	sor.u32 s16, s4;
	s4 =	sor.u32 s28, s4  }
0x119: {  	v20 =	vor.u32 $0x180, v6;
	v18 =	vld.idx.msk [tilespmem:v18+s7+$0x0], $0xffff;
	[tilespmem:s4+$0x0] =	vst v9  }
0x11a: {  	s4 =	sadd.s32 $0x6680, s18;
	v9 =	vadd.s32 $0x1300, v0;
	[tilespmem:s25+$0x0] =	vst v14;
	v11 =	vld.idx.msk [tilespmem:v11+s7+$0x0], $0xffff  }
0x11b: {  	s25 =	sor.u32 s19, s4;
	s4 =	sor.u32 s17, s4;
	[tilespmem:s12+$0x100] =	vst v19;
	v12 =	vld.idx.msk [tilespmem:v7+s7+$0x0], $0xffff;
	v19 =	vadd.s32 $0xA80, v3  }
.Ltmp0:
0x11c: {  	v15 =	vld.idx.msk [tilespmem:v15+s7+$0x0], $0xffff;
	[tilespmem:s4+$0x0] =	vst v13;
	(pc) =	sbr.rel @p0 .LBB2_2-.Ltmp0, $4  }
0x11d: {  	s5 =	sadd.s32 $0x4600, s21;
	v14 =	vadd.s32 $0xA80, v4;
	[tilespmem:s11+$0x100] =	vst v17;
	v7 =	vld.idx.msk [tilespmem:v16+s7+$0x0], $0xffff  }
0x11e: {  	s9 =	sadd.s32 $0x8780, s9;
	s4 =	sor.u32 s22, s5;
	s5 =	sor.u32 s20, s5;
	v17 =	vor.u32 $0x200, v5;
	v16 =	vld.idx.msk [tilespmem:v20+s7+$0x0], $0xffff;
	[tilespmem:s25+$0x0] =	vst v10  }
0x11f: {  	v10 =	vadd.s32 $0x1380, v1;
	s25 =	sor.u32 s16, s9;
	s16 =	smov.u32 s19;
	[tilespmem:s5+$0x0] =	vst v18;
	v9 =	vld.idx.msk [tilespmem:v9+s7+$0x0], $0xffff;
	s5 =	sor.u32 s28, s9  }
0x120: {  	s26 =	sadd.s32 $0x20, s26;
	s19 =	smov.u32 s22;
	s22 =	smov.u32 s13;
	v18 =	vor.u32 $0x200, v6;
	v13 =	vld.idx.msk [tilespmem:v19+s7+$0x0], $0xffff;
	[tilespmem:s5+$0x0] =	vst v11  }
0x121: {  	_ =	sdelay $0x2  }
0x122: {  	[tilespmem:s12+$0x180] =	vst v15  }
0x123: {  	v11 =	vld.idx.msk [tilespmem:v17+s7+$0x0], $0xffff;
	[tilespmem:s11+$0x180] =	vst v16  }
0x124: {  	v24 =	vor.u32 $0x280, v5;
	v23 =	vld.idx.msk [tilespmem:v18+s7+$0x0], $0xffff  }
0x125: {  	v25 =	vor.u32 $0x280, v6;
	_ =	sdelay $0x2  }
0x126: {  	[tilespmem:s12+$0x200] =	vst v11  }
0x127: {  	v11 =	vld.idx.msk [tilespmem:v24+s7+$0x0], $0xffff;
	[tilespmem:s11+$0x200] =	vst v23  }
0x128: {  	v26 =	vor.u32 $0x300, v5;
	v15 =	vld.idx.msk [tilespmem:v25+s7+$0x0], $0xffff  }
0x129: {  	v27 =	vor.u32 $0x300, v6;
	_ =	sdelay $0x2  }
0x12a: {  	s5 =	sadd.s32 $0x1, s29;
	[tilespmem:s12+$0x280] =	vst v11  }
0x12b: {  	s5 =	sand.u32 $0x3, s5;
	v11 =	vld.idx.msk [tilespmem:v26+s7+$0x0], $0xffff;
	[tilespmem:s11+$0x280] =	vst v15  }
0x12c: {  	v28 =	vor.u32 $0x380, v5;
	s5 =	sshll.u32 s5, $0x5;
	v15 =	vld.idx.msk [tilespmem:v27+s7+$0x0], $0xffff  }
0x12d: {  	v29 =	vor.u32 $0x380, v6;
	s5 =	sadd.s32 s5, s31  }
0x12e: {  	s9 =	sadd.s32 $0x10, s5  }
0x12f: {  	s13 =	sor.u32 $0x300, s9  }
0x130: {  	s5 =	sor.u32 $0x300, s5;
	[tilespmem:s13+$0x2400] =	vst v11  }
0x131: {  	v11 =	vld.idx.msk [tilespmem:v28+s7+$0x0], $0xffff;
	[tilespmem:s5+$0x2400] =	vst v15  }
0x132: {  	v30 =	vadd.s32 $0x800, v5;
	v15 =	vld.idx.msk [tilespmem:v29+s7+$0x0], $0xffff  }
0x133: {  	v31 =	vadd.s32 $0x800, v6;
	_ =	sdelay $0x1  }
0x134: {  	s26 =	sor.u32 $0x380, s9  }
0x135: {  	[tilespmem:s26+$0x2400] =	vst v11  }
0x136: {  	v11 =	vld.idx.msk [tilespmem:v30+s7+$0x0], $0xffff;
	[tilespmem:s8+$0x2400] =	vst v15  }
0x137: {  	v32 =	vadd.s32 $0x880, v5;
	v15 =	vld.idx.msk [tilespmem:v31+s7+$0x0], $0xffff  }
0x138: {  	v33 =	vadd.s32 $0x880, v6  }
0x139: {  	s28 =	sadd.s32 $0x4400, s24  }
0x13a: {  	s29 =	sor.u32 s23, s28  }
0x13b: {  	s5 =	sor.u32 s22, s28;
	[tilespmem:s29+$0x0] =	vst v11  }
0x13c: {  	v11 =	vld.idx.msk [tilespmem:v32+s7+$0x0], $0xffff;
	[tilespmem:s5+$0x0] =	vst v15  }
0x13d: {  	v34 =	vadd.s32 $0x900, v5;
	v15 =	vld.idx.msk [tilespmem:v33+s7+$0x0], $0xffff  }
0x13e: {  	v35 =	vadd.s32 $0x900, v6  }
0x13f: {  	s30 =	sadd.s32 $0x4480, s24  }
0x140: {  	s31 =	sor.u32 s23, s30  }
0x141: {  	s5 =	sor.u32 s22, s30;
	[tilespmem:s31+$0x0] =	vst v11  }
0x142: {  	v11 =	vld.idx.msk [tilespmem:v34+s7+$0x0], $0xffff;
	[tilespmem:s5+$0x0] =	vst v15  }
0x143: {  	v36 =	vadd.s32 $0x980, v5;
	v15 =	vld.idx.msk [tilespmem:v35+s7+$0x0], $0xffff  }
0x144: {  	v37 =	vadd.s32 $0x980, v6  }
0x145: {  	s8 =	sadd.s32 $0x4500, s24  }
0x146: {  	s9 =	sor.u32 s23, s8  }
0x147: {  	s5 =	sor.u32 s22, s8;
	[tilespmem:s9+$0x0] =	vst v11  }
0x148: {  	v11 =	vld.idx.msk [tilespmem:v36+s7+$0x0], $0xffff;
	[tilespmem:s5+$0x0] =	vst v15  }
0x149: {  	v38 =	vadd.s32 $0xA00, v5;
	v15 =	vld.idx.msk [tilespmem:v37+s7+$0x0], $0xffff  }
0x14a: {  	v39 =	vadd.s32 $0xA00, v6  }
0x14b: {  	s11 =	sadd.s32 $0x4580, s24  }
0x14c: {  	s12 =	sor.u32 s23, s11  }
0x14d: {  	s5 =	sor.u32 s22, s11;
	[tilespmem:s12+$0x0] =	vst v11  }
0x14e: {  	v11 =	vld.idx.msk [tilespmem:v38+s7+$0x0], $0xffff;
	[tilespmem:s5+$0x0] =	vst v15  }
0x14f: {  	v40 =	vadd.s32 $0xA80, v5;
	v15 =	vld.idx.msk [tilespmem:v39+s7+$0x0], $0xffff  }
0x150: {  	v41 =	vadd.s32 $0xA80, v6  }
0x151: {  	s13 =	sadd.s32 $0x4600, s24  }
0x152: {  	[tilespmem:s4+$0x0] =	vst v12;
	s26 =	sor.u32 s23, s13  }
0x153: {  	v42 =	vadd.s32 $0xB00, v3;
	v12 =	vld.idx.msk [tilespmem:v14+s7+$0x0], $0xffff;
	s5 =	sor.u32 s22, s13;
	[tilespmem:s26+$0x0] =	vst v11  }
0x154: {  	v43 =	vadd.s32 $0xB00, v4;
	v16 =	vld.idx.msk [tilespmem:v40+s7+$0x0], $0xffff;
	[tilespmem:s5+$0x0] =	vst v15  }
0x155: {  	v44 =	vadd.s32 $0xB00, v5;
	s28 =	sadd.s32 $0x4680, s21;
	v15 =	vld.idx.msk [tilespmem:v41+s7+$0x0], $0xffff  }
0x156: {  	v45 =	vadd.s32 $0xB00, v6;
	s29 =	sor.u32 s20, s28  }
0x157: {  	s4 =	sor.u32 s19, s28;
	[tilespmem:s29+$0x0] =	vst v13;
	s30 =	sadd.s32 $0x4680, s24  }
0x158: {  	[tilespmem:s4+$0x0] =	vst v12;
	v13 =	vld.idx.msk [tilespmem:v42+s7+$0x0], $0xffff;
	s31 =	sor.u32 s23, s30  }
0x159: {  	v46 =	vadd.s32 $0xB80, v3;
	v11 =	vld.idx.msk [tilespmem:v43+s7+$0x0], $0xffff;
	s5 =	sor.u32 s22, s30;
	[tilespmem:s31+$0x0] =	vst v16  }
0x15a: {  	v47 =	vadd.s32 $0xB80, v4;
	v16 =	vld.idx.msk [tilespmem:v44+s7+$0x0], $0xffff;
	[tilespmem:s5+$0x0] =	vst v15  }
0x15b: {  	v48 =	vadd.s32 $0xB80, v5;
	s8 =	sadd.s32 $0x4700, s21;
	v15 =	vld.idx.msk [tilespmem:v45+s7+$0x0], $0xffff  }
0x15c: {  	v49 =	vadd.s32 $0xB80, v6;
	s9 =	sor.u32 s20, s8  }
0x15d: {  	s4 =	sor.u32 s19, s8;
	[tilespmem:s9+$0x0] =	vst v13;
	s11 =	sadd.s32 $0x4700, s24  }
0x15e: {  	v12 =	vld.idx.msk [tilespmem:v46+s7+$0x0], $0xffff;
	s12 =	sor.u32 s23, s11;
	[tilespmem:s4+$0x0] =	vst v11  }
0x15f: {  	v50 =	vadd.s32 $0x1000, v3;
	v11 =	vld.idx.msk [tilespmem:v47+s7+$0x0], $0xffff;
	s5 =	sor.u32 s22, s11;
	[tilespmem:s12+$0x0] =	vst v16  }
0x160: {  	v51 =	vadd.s32 $0x1000, v4;
	v16 =	vld.idx.msk [tilespmem:v48+s7+$0x0], $0xffff;
	[tilespmem:s5+$0x0] =	vst v15  }
0x161: {  	v52 =	vadd.s32 $0x1000, v5;
	s13 =	sadd.s32 $0x4780, s21;
	v15 =	vld.idx.msk [tilespmem:v49+s7+$0x0], $0xffff  }
0x162: {  	v53 =	vadd.s32 $0x1000, v6;
	s26 =	sor.u32 s20, s13  }
0x163: {  	s28 =	sadd.s32 $0x4780, s24;
	[tilespmem:s26+$0x0] =	vst v12;
	s4 =	sor.u32 s19, s13  }
0x164: {  	s29 =	sor.u32 s23, s28;
	v12 =	vld.idx.msk [tilespmem:v50+s7+$0x0], $0xffff;
	[tilespmem:s4+$0x0] =	vst v11  }
0x165: {  	v54 =	vadd.s32 $0x1080, v3;
	v11 =	vld.idx.msk [tilespmem:v51+s7+$0x0], $0xffff;
	s5 =	sor.u32 s22, s28;
	[tilespmem:s29+$0x0] =	vst v16  }
0x166: {  	v55 =	vadd.s32 $0x1080, v4;
	v16 =	vld.idx.msk [tilespmem:v52+s7+$0x0], $0xffff;
	[tilespmem:s5+$0x0] =	vst v15  }
0x167: {  	v56 =	vadd.s32 $0x1080, v5;
	s30 =	sadd.s32 $0x6400, s21;
	v15 =	vld.idx.msk [tilespmem:v53+s7+$0x0], $0xffff  }
0x168: {  	v57 =	vadd.s32 $0x1080, v6;
	s31 =	sor.u32 s20, s30  }
0x169: {  	s8 =	sadd.s32 $0x6400, s24;
	[tilespmem:s31+$0x0] =	vst v12;
	s4 =	sor.u32 s19, s30  }
0x16a: {  	s9 =	sor.u32 s23, s8;
	v12 =	vld.idx.msk [tilespmem:v54+s7+$0x0], $0xffff;
	[tilespmem:s4+$0x0] =	vst v11  }
0x16b: {  	v58 =	vadd.s32 $0x1100, v3;
	v11 =	vld.idx.msk [tilespmem:v55+s7+$0x0], $0xffff;
	s5 =	sor.u32 s22, s8;
	[tilespmem:s9+$0x0] =	vst v16  }
0x16c: {  	v59 =	vadd.s32 $0x1100, v4;
	v16 =	vld.idx.msk [tilespmem:v56+s7+$0x0], $0xffff;
	[tilespmem:s5+$0x0] =	vst v15  }
0x16d: {  	v60 =	vadd.s32 $0x1100, v5;
	s11 =	sadd.s32 $0x6480, s21;
	v15 =	vld.idx.msk [tilespmem:v57+s7+$0x0], $0xffff  }
0x16e: {  	v61 =	vadd.s32 $0x1100, v6;
	s12 =	sor.u32 s20, s11  }
0x16f: {  	s13 =	sadd.s32 $0x6480, s24;
	[tilespmem:s12+$0x0] =	vst v12;
	s4 =	sor.u32 s19, s11  }
0x170: {  	s26 =	sor.u32 s23, s13;
	v12 =	vld.idx.msk [tilespmem:v58+s7+$0x0], $0xffff;
	[tilespmem:s4+$0x0] =	vst v11  }
0x171: {  	v62 =	vadd.s32 $0x1180, v3;
	v11 =	vld.idx.msk [tilespmem:v59+s7+$0x0], $0xffff;
	s5 =	sor.u32 s22, s13;
	[tilespmem:s26+$0x0] =	vst v16  }
0x172: {  	v63 =	vadd.s32 $0x1180, v4;
	v16 =	vld.idx.msk [tilespmem:v60+s7+$0x0], $0xffff;
	[tilespmem:s5+$0x0] =	vst v15  }
0x173: {  	v21 =	vadd.s32 $0x1180, v5;
	s28 =	sadd.s32 $0x6500, s21;
	v15 =	vld.idx.msk [tilespmem:v61+s7+$0x0], $0xffff  }
0x174: {  	v22 =	vadd.s32 $0x1180, v6;
	s29 =	sor.u32 s20, s28  }
0x175: {  	s30 =	sadd.s32 $0x6500, s24;
	[tilespmem:s29+$0x0] =	vst v12;
	s4 =	sor.u32 s19, s28  }
0x176: {  	s31 =	sor.u32 s23, s30;
	v12 =	vld.idx.msk [tilespmem:v62+s7+$0x0], $0xffff;
	[tilespmem:s4+$0x0] =	vst v11  }
0x177: {  	v23 =	vadd.s32 $0x1200, v3;
	v11 =	vld.idx.msk [tilespmem:v63+s7+$0x0], $0xffff;
	s5 =	sor.u32 s22, s30;
	[tilespmem:s31+$0x0] =	vst v16  }
0x178: {  	v24 =	vadd.s32 $0x1200, v4;
	v16 =	vld.idx.msk [tilespmem:v21+s7+$0x0], $0xffff;
	[tilespmem:s5+$0x0] =	vst v15  }
0x179: {  	v25 =	vadd.s32 $0x1200, v5;
	s5 =	sadd.s32 $0x6580, s21;
	v15 =	vld.idx.msk [tilespmem:v22+s7+$0x0], $0xffff  }
0x17a: {  	v26 =	vadd.s32 $0x1200, v6;
	s8 =	sor.u32 s20, s5  }
0x17b: {  	s9 =	sadd.s32 $0x6580, s24;
	s4 =	sor.u32 s19, s5;
	[tilespmem:s8+$0x0] =	vst v12  }
0x17c: {  	s11 =	sor.u32 s23, s9;
	[tilespmem:s4+$0x0] =	vst v11;
	v12 =	vld.idx.msk [tilespmem:v23+s7+$0x0], $0xffff  }
0x17d: {  	v27 =	vadd.s32 $0x1280, v3;
	s12 =	sadd.s32 $0x6700, s18;
	s5 =	sor.u32 s22, s9;
	v11 =	vld.idx.msk [tilespmem:v24+s7+$0x0], $0xffff;
	[tilespmem:s11+$0x0] =	vst v16  }
0x17e: {  	v28 =	vadd.s32 $0x1280, v4;
	s13 =	sor.u32 s17, s12;
	v29 =	vld.idx.msk [tilespmem:v25+s7+$0x0], $0xffff;
	[tilespmem:s5+$0x0] =	vst v15  }
0x17f: {  	v31 =	vadd.s32 $0x1280, v5;
	[tilespmem:s13+$0x0] =	vst v7;
	s26 =	sadd.s32 $0x6600, s21;
	s4 =	sor.u32 s16, s12;
	v30 =	vld.idx.msk [tilespmem:v26+s7+$0x0], $0xffff  }
0x180: {  	v32 =	vadd.s32 $0x1280, v6;
	s28 =	sor.u32 s20, s26;
	[tilespmem:s4+$0x0] =	vst v9  }
0x181: {  	v33 =	vadd.s32 $0x1380, v0;
	s29 =	sadd.s32 $0x6600, s24;
	v10 =	vld.idx.msk [tilespmem:v10+s7+$0x0], $0xffff;
	s5 =	sor.u32 s19, s26;
	[tilespmem:s28+$0x0] =	vst v12  }
0x182: {  	v34 =	vadd.s32 $0x1A80, v2;
	s30 =	sor.u32 s23, s29;
	[tilespmem:s5+$0x0] =	vst v11;
	v13 =	vld.idx.msk [tilespmem:v27+s7+$0x0], $0xffff  }
0x183: {  	v35 =	vadd.s32 $0x1300, v3;
	s4 =	sor.u32 s22, s29;
	v11 =	vld.idx.msk [tilespmem:v28+s7+$0x0], $0xffff;
	[tilespmem:s30+$0x0] =	vst v29  }
0x184: {  	v36 =	vadd.s32 $0x1300, v4;
	s31 =	sadd.s32 $0x6780, s18;
	v16 =	vld.idx.msk [tilespmem:v31+s7+$0x0], $0xffff;
	[tilespmem:s4+$0x0] =	vst v30  }
0x185: {  	[tilespmem:s1+$0x0] =	vst v8;
	v37 =	vadd.s32 $0x1300, v5;
	s9 =	sadd.s32 $0x6680, s21;
	s8 =	sor.u32 s17, s31;
	v7 =	vld.idx.msk [tilespmem:v32+s7+$0x0], $0xffff  }
0x186: {  	v39 =	vadd.s32 $0x1300, v6;
	[tilespmem:s8+$0x0] =	vst v10;
	v38 =	vld.idx.msk [tilespmem:v33+s7+$0x0], $0xffff;
	s11 =	sor.u32 s20, s9  }
0x187: {  	v40 =	vadd.s32 $0x1800, v1;
	s12 =	sadd.s32 $0x6680, s24;
	v12 =	vld.idx.msk [tilespmem:v34+s7+$0x0], $0xffff;
	s4 =	sor.u32 s19, s9;
	[tilespmem:s11+$0x0] =	vst v13  }
0x188: {  	v41 =	vadd.s32 $0x1800, v0;
	s13 =	sor.u32 s23, s12;
	[tilespmem:s4+$0x0] =	vst v11;
	v14 =	vld.idx.msk [tilespmem:v35+s7+$0x0], $0xffff  }
0x189: {  	v42 =	vadd.s32 $0x1380, v3;
	s1 =	sor.u32 s22, s12;
	v11 =	vld.idx.msk [tilespmem:v36+s7+$0x0], $0xffff;
	[tilespmem:s13+$0x0] =	vst v16  }
0x18a: {  	v43 =	vadd.s32 $0x1380, v4;
	s26 =	sor.u32 s16, s31;
	v8 =	vld.idx.msk [tilespmem:v37+s7+$0x0], $0xffff;
	[tilespmem:s1+$0x0] =	vst v7  }
0x18b: {  	v45 =	vadd.s32 $0x1380, v5;
	s28 =	sadd.s32 $0x6700, s21;
	[tilespmem:s26+$0x0] =	vst v38;
	v44 =	vld.idx.msk [tilespmem:v39+s7+$0x0], $0xffff  }
0x18c: {  	v47 =	vadd.s32 $0x1380, v6;
	v46 =	vld.idx.msk [tilespmem:v40+s7+$0x0], $0xffff;
	s29 =	sor.u32 s20, s28;
	[tilespmem:s2+$0x0] =	vst v12  }
0x18d: {  	v48 =	vadd.s32 $0x1B00, v2;
	s30 =	sadd.s32 $0x6700, s24;
	v13 =	vld.idx.msk [tilespmem:v41+s7+$0x0], $0xffff;
	s1 =	sor.u32 s19, s28;
	[tilespmem:s29+$0x0] =	vst v14  }
0x18e: {  	v49 =	vadd.s32 $0x1880, v1;
	s31 =	sor.u32 s23, s30;
	[tilespmem:s1+$0x0] =	vst v11;
	v15 =	vld.idx.msk [tilespmem:v42+s7+$0x0], $0xffff  }
0x18f: {  	v50 =	vadd.s32 $0x1800, v3;
	s2 =	sor.u32 s22, s30;
	s4 =	sadd.s32 $0x8400, s18;
	v7 =	vld.idx.msk [tilespmem:v43+s7+$0x0], $0xffff;
	[tilespmem:s31+$0x0] =	vst v8  }
0x190: {  	v51 =	vadd.s32 $0x1800, v4;
	s5 =	sor.u32 s17, s4;
	v10 =	vld.idx.msk [tilespmem:v45+s7+$0x0], $0xffff;
	[tilespmem:s2+$0x0] =	vst v44  }
0x191: {  	v53 =	vadd.s32 $0x1800, v5;
	s8 =	sadd.s32 $0x6780, s21;
	[tilespmem:s5+$0x0] =	vst v46;
	s1 =	sor.u32 s16, s4;
	v52 =	vld.idx.msk [tilespmem:v47+s7+$0x0], $0xffff  }
0x192: {  	v55 =	vadd.s32 $0x1800, v6;
	s9 =	sor.u32 s20, s8;
	v54 =	vld.idx.msk [tilespmem:v48+s7+$0x0], $0xffff;
	[tilespmem:s1+$0x0] =	vst v13  }
0x193: {  	v57 =	vadd.s32 $0x1B80, v2;
	s11 =	sadd.s32 $0x6780, s24;
	v14 =	vld.idx.msk [tilespmem:v49+s7+$0x0], $0xffff;
	s2 =	sor.u32 s19, s8;
	[tilespmem:s9+$0x0] =	vst v15  }
0x194: {  	v56 =	vadd.s32 $0x1880, v0;
	s12 =	sor.u32 s23, s11;
	[tilespmem:s2+$0x0] =	vst v7;
	v8 =	vld.idx.msk [tilespmem:v50+s7+$0x0], $0xffff  }
0x195: {  	v58 =	vadd.s32 $0x1880, v3;
	s1 =	sor.u32 s22, s11;
	v7 =	vld.idx.msk [tilespmem:v51+s7+$0x0], $0xffff;
	[tilespmem:s12+$0x0] =	vst v10  }
0x196: {  	v59 =	vadd.s32 $0x1880, v4;
	s13 =	sadd.s32 $0x8480, s18;
	v12 =	vld.idx.msk [tilespmem:v53+s7+$0x0], $0xffff;
	[tilespmem:s1+$0x0] =	vst v52  }
0x197: {  	v60 =	vadd.s32 $0x1880, v5;
	s26 =	sor.u32 s17, s13;
	s28 =	sadd.s32 $0x8400, s21;
	[tilespmem:s0+$0x0] =	vst v54;
	v11 =	vld.idx.msk [tilespmem:v55+s7+$0x0], $0xffff  }
0x198: {  	v62 =	vadd.s32 $0x1880, v6;
	s29 =	sor.u32 s20, s28;
	v2 =	vld.idx.msk [tilespmem:v57+s7+$0x0], $0xffff;
	[tilespmem:s26+$0x0] =	vst v14  }
0x199: {  	v63 =	vadd.s32 $0x1900, v1;
	s30 =	sadd.s32 $0x8400, s24;
	v61 =	vld.idx.msk [tilespmem:v56+s7+$0x0], $0xffff;
	s1 =	sor.u32 s19, s28;
	[tilespmem:s29+$0x0] =	vst v8  }
0x19a: {  	v20 =	vadd.s32 $0x1900, v0;
	s31 =	sor.u32 s23, s30;
	[tilespmem:s1+$0x0] =	vst v7;
	v9 =	vld.idx.msk [tilespmem:v58+s7+$0x0], $0xffff  }
0x19b: {  	v21 =	vadd.s32 $0x1900, v3;
	s0 =	sor.u32 s22, s30;
	v7 =	vld.idx.msk [tilespmem:v59+s7+$0x0], $0xffff;
	[tilespmem:s31+$0x0] =	vst v12  }
0x19c: {  	v22 =	vadd.s32 $0x1900, v4;
	v12 =	vld.idx.msk [tilespmem:v60+s7+$0x0], $0xffff;
	[tilespmem:s0+$0x0] =	vst v11  }
0x19d: {  	v24 =	vadd.s32 $0x1900, v5;
	[tilespmem:s25+$0x0] =	vst v2;
	s2 =	sadd.s32 $0x8480, s21;
	s1 =	sor.u32 s16, s13;
	v23 =	vld.idx.msk [tilespmem:v62+s7+$0x0], $0xffff  }
0x19e: {  	v26 =	vadd.s32 $0x1900, v6;
	v25 =	vld.idx.msk [tilespmem:v63+s7+$0x0], $0xffff;
	s4 =	sor.u32 s20, s2;
	[tilespmem:s1+$0x0] =	vst v61  }
0x19f: {  	v27 =	vadd.s32 $0x1980, v1;
	s5 =	sadd.s32 $0x8480, s24;
	v8 =	vld.idx.msk [tilespmem:v20+s7+$0x0], $0xffff;
	s0 =	sor.u32 s19, s2;
	[tilespmem:s4+$0x0] =	vst v9  }
0x1a0: {  	v28 =	vadd.s32 $0x1980, v0;
	s8 =	sor.u32 s23, s5;
	[tilespmem:s0+$0x0] =	vst v7;
	v10 =	vld.idx.msk [tilespmem:v21+s7+$0x0], $0xffff  }
0x1a1: {  	v29 =	vadd.s32 $0x1980, v3;
	s9 =	sadd.s32 $0x8500, s18;
	s1 =	sor.u32 s22, s5;
	v7 =	vld.idx.msk [tilespmem:v22+s7+$0x0], $0xffff;
	[tilespmem:s8+$0x0] =	vst v12  }
0x1a2: {  	v30 =	vadd.s32 $0x1980, v4;
	s11 =	sor.u32 s17, s9;
	v31 =	vld.idx.msk [tilespmem:v24+s7+$0x0], $0xffff;
	[tilespmem:s1+$0x0] =	vst v23  }
0x1a3: {  	v32 =	vadd.s32 $0x1980, v5;
	s12 =	sadd.s32 $0x8500, s21;
	[tilespmem:s11+$0x0] =	vst v25;
	s0 =	sor.u32 s16, s9;
	v2 =	vld.idx.msk [tilespmem:v26+s7+$0x0], $0xffff  }
0x1a4: {  	v33 =	vadd.s32 $0x1980, v6;
	v15 =	vld.idx.msk [tilespmem:v27+s7+$0x0], $0xffff;
	s13 =	sor.u32 s20, s12;
	[tilespmem:s0+$0x0] =	vst v8  }
0x1a5: {  	v34 =	vadd.s32 $0x1A00, v1;
	s25 =	sadd.s32 $0x8500, s24;
	v9 =	vld.idx.msk [tilespmem:v28+s7+$0x0], $0xffff;
	s1 =	sor.u32 s19, s12;
	[tilespmem:s13+$0x0] =	vst v10  }
0x1a6: {  	v35 =	vadd.s32 $0x1A00, v0;
	s26 =	sor.u32 s23, s25;
	[tilespmem:s1+$0x0] =	vst v7;
	v11 =	vld.idx.msk [tilespmem:v29+s7+$0x0], $0xffff  }
0x1a7: {  	v36 =	vadd.s32 $0x1A00, v3;
	s28 =	sadd.s32 $0x8580, s18;
	s0 =	sor.u32 s22, s25;
	v7 =	vld.idx.msk [tilespmem:v30+s7+$0x0], $0xffff;
	[tilespmem:s26+$0x0] =	vst v31  }
0x1a8: {  	v37 =	vadd.s32 $0x1A00, v4;
	s29 =	sor.u32 s17, s28;
	v13 =	vld.idx.msk [tilespmem:v32+s7+$0x0], $0xffff;
	[tilespmem:s0+$0x0] =	vst v2  }
0x1a9: {  	v38 =	vadd.s32 $0x1A00, v5;
	s30 =	sadd.s32 $0x8580, s21;
	[tilespmem:s29+$0x0] =	vst v15;
	s1 =	sor.u32 s16, s28;
	v8 =	vld.idx.msk [tilespmem:v33+s7+$0x0], $0xffff  }
0x1aa: {  	v39 =	vadd.s32 $0x1A00, v6;
	s31 =	sor.u32 s20, s30;
	v15 =	vld.idx.msk [tilespmem:v34+s7+$0x0], $0xffff;
	[tilespmem:s1+$0x0] =	vst v9  }
0x1ab: {  	v40 =	vadd.s32 $0x1A80, v1;
	s2 =	sadd.s32 $0x8580, s24;
	v10 =	vld.idx.msk [tilespmem:v35+s7+$0x0], $0xffff;
	s0 =	sor.u32 s19, s30;
	[tilespmem:s31+$0x0] =	vst v11  }
0x1ac: {  	v41 =	vadd.s32 $0x1A80, v0;
	s4 =	sor.u32 s23, s2;
	[tilespmem:s0+$0x0] =	vst v7;
	v12 =	vld.idx.msk [tilespmem:v36+s7+$0x0], $0xffff  }
0x1ad: {  	v42 =	vadd.s32 $0x1A80, v3;
	s5 =	sadd.s32 $0x8600, s18;
	s1 =	sor.u32 s22, s2;
	v2 =	vld.idx.msk [tilespmem:v37+s7+$0x0], $0xffff;
	[tilespmem:s4+$0x0] =	vst v13  }
0x1ae: {  	v43 =	vadd.s32 $0x1A80, v4;
	s8 =	sor.u32 s17, s5;
	v13 =	vld.idx.msk [tilespmem:v38+s7+$0x0], $0xffff;
	[tilespmem:s1+$0x0] =	vst v8  }
0x1af: {  	v44 =	vadd.s32 $0x1A80, v5;
	s9 =	sadd.s32 $0x8600, s21;
	[tilespmem:s8+$0x0] =	vst v15;
	s0 =	sor.u32 s16, s5;
	v9 =	vld.idx.msk [tilespmem:v39+s7+$0x0], $0xffff  }
0x1b0: {  	v45 =	vadd.s32 $0x1A80, v6;
	s11 =	sor.u32 s20, s9;
	v15 =	vld.idx.msk [tilespmem:v40+s7+$0x0], $0xffff;
	[tilespmem:s0+$0x0] =	vst v10  }
0x1b1: {  	v46 =	vadd.s32 $0x1B00, v1;
	s12 =	sor.u32 s19, s9;
	s13 =	sadd.s32 $0x8600, s24;
	v11 =	vld.idx.msk [tilespmem:v41+s7+$0x0], $0xffff;
	[tilespmem:s11+$0x0] =	vst v12  }
0x1b2: {  	v47 =	vadd.s32 $0x1B00, v0;
	s25 =	sor.u32 s23, s13;
	[tilespmem:s12+$0x0] =	vst v2;
	v7 =	vld.idx.msk [tilespmem:v42+s7+$0x0], $0xffff  }
0x1b3: {  	v48 =	vadd.s32 $0x1B00, v3;
	s26 =	sadd.s32 $0x8680, s18;
	s1 =	sor.u32 s22, s13;
	v8 =	vld.idx.msk [tilespmem:v43+s7+$0x0], $0xffff;
	[tilespmem:s25+$0x0] =	vst v13  }
0x1b4: {  	v49 =	vadd.s32 $0x1B00, v4;
	s28 =	sor.u32 s17, s26;
	v13 =	vld.idx.msk [tilespmem:v44+s7+$0x0], $0xffff;
	[tilespmem:s1+$0x0] =	vst v9  }
0x1b5: {  	v50 =	vadd.s32 $0x1B00, v5;
	s29 =	sadd.s32 $0x8680, s21;
	[tilespmem:s28+$0x0] =	vst v15;
	s0 =	sor.u32 s16, s26;
	v10 =	vld.idx.msk [tilespmem:v45+s7+$0x0], $0xffff  }
0x1b6: {  	v51 =	vadd.s32 $0x1B00, v6;
	s30 =	sor.u32 s20, s29;
	v15 =	vld.idx.msk [tilespmem:v46+s7+$0x0], $0xffff;
	[tilespmem:s0+$0x0] =	vst v11  }
0x1b7: {  	v52 =	vadd.s32 $0x1B80, v1;
	s31 =	sadd.s32 $0x8680, s24;
	v12 =	vld.idx.msk [tilespmem:v47+s7+$0x0], $0xffff;
	s1 =	sor.u32 s19, s29;
	[tilespmem:s30+$0x0] =	vst v7  }
0x1b8: {  	v53 =	vadd.s32 $0x1B80, v0;
	s2 =	sor.u32 s23, s31;
	[tilespmem:s1+$0x0] =	vst v8;
	v2 =	vld.idx.msk [tilespmem:v48+s7+$0x0], $0xffff  }
0x1b9: {  	v54 =	vadd.s32 $0x1B80, v3;
	s4 =	sadd.s32 $0x8700, s18;
	s0 =	sor.u32 s22, s31;
	v55 =	vld.idx.msk [tilespmem:v49+s7+$0x0], $0xffff;
	[tilespmem:s2+$0x0] =	vst v13  }
0x1ba: {  	v56 =	vadd.s32 $0x1B80, v4;
	s5 =	sor.u32 s17, s4;
	v57 =	vld.idx.msk [tilespmem:v50+s7+$0x0], $0xffff;
	[tilespmem:s0+$0x0] =	vst v10  }
0x1bb: {  	v58 =	vadd.s32 $0x1B80, v5;
	s8 =	sadd.s32 $0x8700, s21;
	[tilespmem:s5+$0x0] =	vst v15;
	s1 =	sor.u32 s16, s4;
	v59 =	vld.idx.msk [tilespmem:v51+s7+$0x0], $0xffff  }
0x1bc: {  	v60 =	vadd.s32 $0x1B80, v6;
	s9 =	sor.u32 s20, s8;
	v1 =	vld.idx.msk [tilespmem:v52+s7+$0x0], $0xffff;
	[tilespmem:s1+$0x0] =	vst v12  }
0x1bd: {  	s11 =	sadd.s32 $0x8700, s24;
	v0 =	vld.idx.msk [tilespmem:v53+s7+$0x0], $0xffff;
	s0 =	sor.u32 s19, s8;
	[tilespmem:s9+$0x0] =	vst v2  }
0x1be: {  	s12 =	sor.u32 s23, s11;
	[tilespmem:s0+$0x0] =	vst v55;
	v2 =	vld.idx.msk [tilespmem:v54+s7+$0x0], $0xffff  }
0x1bf: {  	s13 =	sadd.s32 $0x8780, s18;
	s1 =	sor.u32 s22, s11;
	v61 =	vld.idx.msk [tilespmem:v56+s7+$0x0], $0xffff;
	[tilespmem:s12+$0x0] =	vst v57  }
0x1c0: {  	s18 =	sor.u32 s17, s13;
	v62 =	vld.idx.msk [tilespmem:v58+s7+$0x0], $0xffff;
	[tilespmem:s1+$0x0] =	vst v59  }
0x1c1: {  	s21 =	sadd.s32 $0x8780, s21;
	[tilespmem:s18+$0x0] =	vst v1;
	s0 =	sor.u32 s16, s13;
	v63 =	vld.idx.msk [tilespmem:v60+s7+$0x0], $0xffff  }
0x1c2: {  	s25 =	sor.u32 s20, s21;
	[tilespmem:s0+$0x0] =	vst v0  }
0x1c3: {  	s26 =	sadd.s32 $0x8780, s24;
	s1 =	sor.u32 s19, s21;
	[tilespmem:s25+$0x0] =	vst v2  }
0x1c4: {  	s28 =	sor.u32 s23, s26;
	[tilespmem:s1+$0x0] =	vst v61  }
0x1c5: {  	s15 =	sadd.s32 $0x1, s15;
	s0 =	sor.u32 s22, s26;
	[tilespmem:s28+$0x0] =	vst v62  }
0x1c6: {  	p0 =	sne.s32 s15, s6;
	s31 =	simm.s32 $0x2400;
	s29 =	simm.s32 $0x2000;
	[tilespmem:s0+$0x0] =	vst v63  }
.Ltmp1:
0x1c7: {  	s30 =	simm.s32 $0x10000;
	s0 =	rddreg [dreg:$0x5];
	(pc) =	sbr.rel @p0 .LBB2_1-.Ltmp1, $4  }
0x1c8: {  	[hbm4b:s0+s29] =	stream.strided.scatter [tilespmem:s31], [sflag:$0x2], $0x8000, s30, s29, $0x38;
	[tilespmem:$0xA400] =	vst v63  }
0x1c9: {  	_ =	swait.ge [sflag:s14], $0x8000  }
0x1ca: {  	[sflag:s14] =	ssyncset.done $0x0  }
0x1cb: {  	[sflag:s14] =	ssyncadd.s32 $0xFFFF8000  }
0x1cc: {  	_ =	sfence.sel $0x180000  }
0x1cd: {  	[bflag:$0x0] =	sbarrier.arrive $0xFFFF  }
0x1ce: {  	_ =	strace $0x90000047  }
0x1cf: {  	s0 =	stileid.u32;
	[bflag:$0x2] =	sbarrier.arrive $0xFFFF  }
0x1d0: {  	p0 =	sne.s32 s0, $0x0;
	s0 =	rddreg [dreg:$0x3]  }
0x1d1: {  	s0 =	sadd.s32 @!p0 $0x100000, s0  }
0x1d2: {  	[sflag:s0] =	ssyncadd.tile.s32 @!p0 $0x1;
	_ =	shalt  }
.Lfunc_end2:
_tile_overlayer_lowered:
.L_overlay_start_2:
0x1d3: {  	(tag) =	ssettag $0x2  }
0x1d4: {  	s0 =	rddreg [dreg:$0x0];
	s2 =	stileid.u32  }
0x1d5: {  	s1 =	rddreg [dreg:$0x1];
	p0 =	sne.s32 s2, $0x0  }
0x1d6: {  	s3 =	rddreg [dreg:$0x2];
	[bflag:$0x3] =	sbarrier.arrive $0xFFFF;
	s2 =	simm.s32 @!p0 $0x1C02  }
0x1d7: {  	[timem:s3], [sflag:s2] =	dma.local @!p0 [hbm:s0], s1  }
0x1d8: {  	s0 =	simm.s32 @!p0 $0x2  }
0x1d9: {  	_ =	swait.ge @!p0 [sflag:s0], s1  }
0x1da: {  	s1 =	ssub.s32 @!p0 $0x0, s1;
	[sflag:s0] =	ssyncset.done @!p0 $0x0  }
0x1db: {  	[sflag:s0] =	ssyncadd.s32 @!p0 s1  }
0x1dc: {  	[bflag:$0x3] =	sbarrier.arrive $0xFFFF  }
0x1dd: {  	_ =	shalt  }

</sc_bundles>
